<compile_context>
chip_gen: v7x
topology: tpu7x:2x2x1
jax: 0.10.2.dev20260603
libtpu: 0.0.44.dev20260713+nightly
codegen_flags: <defaults>
</compile_context>

<pallas_src>
import functools
import jax
import jax.numpy as jnp
import numpy as np
from jax import lax
from jax.experimental import pallas as pl
from jax.experimental.pallas import tpu as pltpu, tpu_sc as plsc

_BINS = 10
_EDGES32 = np.arange(_BINS + 1, dtype=np.float32) / np.float32(_BINS)
_LOGITS = [float(np.log(np.float64(e) / (1.0 - np.float64(e))))
           for e in _EDGES32[1:_BINS]]
_DOT_DIMS = (((1,), (0,)), ((), ()))
_NACC = 2 * _BINS - 1

_N = 4194304
_L = 16
_NW = 32
_CHUNK = 8192
_SC_CHUNKS = 1
_SC_SHARD = _CHUNK * _SC_CHUNKS
_SC_N = _SC_SHARD * _NW
_ROWS = 24

_COLS = 128
_TC_N = _N - _SC_N
_TC_ROWS = _TC_N // _COLS
_TC_BM = 2048
_TC_GRID = _TC_ROWS // _TC_BM
_TC_ROW_OFF = (_SC_N // _COLS) // _TC_BM


def _sc_body(x_hbm, y_hbm, out_hbm, xa, ya, part):
    c = lax.axis_index("c")
    s = lax.axis_index("s")
    wid = s * 2 + c
    base = wid * _SC_SHARD

    def chunk_step(k, accs):
        pltpu.sync_copy(x_hbm.at[pl.ds(base + k * _CHUNK, _CHUNK)], xa)
        pltpu.sync_copy(y_hbm.at[pl.ds(base + k * _CHUNK, _CHUNK)], ya)

        def vec_step(i, accs2):
            x_v = xa[pl.ds(i * _L, _L)]
            y_v = ya[pl.ds(i * _L, _L)]
            t = jnp.where(y_v == 0, x_v, -x_v)
            e = jnp.exp(-jnp.abs(t))
            z = e / (2.0 + e)
            z2 = z * z
            ln1p = 2.0 * z * (1.0 + z2 * (1.0 / 3.0 + z2 *
                              (0.2 + z2 * (1.0 / 7.0 + z2 * (1.0 / 9.0)))))
            pe = jnp.maximum(t, 0.0) + ln1p
            out = [accs2[0] + pe]
            for j in range(1, _BINS):
                mf = jnp.where(t >= _LOGITS[j - 1], 1.0, 0.0)
                out.append(accs2[j] + mf * pe)
            for j in range(1, _BINS):
                mf = jnp.where(t >= _LOGITS[j - 1], 1.0, 0.0)
                out.append(accs2[9 + j] + mf)
            return tuple(out)

        return lax.fori_loop(0, _CHUNK // _L, vec_step, accs)

    zero = jnp.zeros((_L,), jnp.float32)
    accs = lax.fori_loop(0, _SC_CHUNKS, chunk_step,
                         tuple(zero for _ in range(_NACC)))
    for j in range(_NACC):
        part[j, :] = accs[j]
    for j in range(_NACC, _ROWS):
        part[j, :] = zero
    pltpu.sync_copy(part, out_hbm.at[wid])


def _tc_body(x_ref, y_ref, acc_ref):
    step = pl.program_id(0)

    @pl.when(step == 0)
    def _init():
        acc_ref[...] = jnp.zeros_like(acc_ref)

    x = x_ref[...]
    y = y_ref[...]
    xi = lax.bitcast_convert_type(x, jnp.int32)
    t = lax.bitcast_convert_type(xi ^ (y << 31), jnp.float32)
    e = jnp.exp(-jnp.abs(t))
    pe = jnp.maximum(t, 0.0) + jnp.log1p(e)

    ones = jnp.ones((8, x.shape[0]), jnp.float32)
    rhs = [pe]
    for j in range(1, _BINS):
        m = t >= _LOGITS[j - 1]
        rhs.append(jnp.where(m, pe, 0.0))
    for j in range(1, _BINS):
        m = t >= _LOGITS[j - 1]
        rhs.append(jnp.where(m, 1.0, 0.0))
    for k in range(_NACC):
        d = lax.dot_general(ones, rhs[k], _DOT_DIMS,
                            preferred_element_type=jnp.float32)
        acc_ref[k] = acc_ref[k] + d


def _finish_body(sc_ref, tc_ref, out_ref):
    sc = jnp.sum(sc_ref[...], axis=0)
    u = []
    tt = [jnp.float32(_N)]
    for k in range(_BINS):
        u.append(jnp.sum(tc_ref[k][0, :]) + jnp.sum(sc[k * _L:(k + 1) * _L]))
    for j in range(1, _BINS):
        tt.append(jnp.sum(tc_ref[9 + j][0, :])
                  + jnp.sum(sc[(9 + j) * _L:(10 + j) * _L]))
    num = jnp.float32(0.0)
    acc = jnp.float32(0.0)
    for b in range(_BINS):
        tb1 = jnp.float32(0.0) if b == _BINS - 1 else tt[b + 1]
        ub1 = jnp.float32(0.0) if b == _BINS - 1 else u[b + 1]
        cnt = tt[b] - tb1
        s = u[b] - ub1
        pos = cnt > 0.0
        num = num + jnp.where(pos, 1.0, 0.0)
        acc = acc + jnp.where(pos, s / jnp.maximum(cnt, 1.0), 0.0)
    out_ref[0, 0] = acc / jnp.maximum(num, 1.0)


def kernel(y_pred, y_true):
    n = y_pred.shape[0]
    x1 = y_pred.reshape(n)
    y1 = y_true.reshape(n).astype(jnp.int32)

    mesh = plsc.VectorSubcoreMesh(core_axis_name="c", subcore_axis_name="s")
    sc_partials = functools.partial(
        pl.kernel,
        mesh=mesh,
        out_type=jax.ShapeDtypeStruct((_NW, _ROWS, _L), jnp.float32),
        scratch_types=[
            pltpu.VMEM((_CHUNK,), jnp.float32),
            pltpu.VMEM((_CHUNK,), jnp.int32),
            pltpu.VMEM((_ROWS, _L), jnp.float32),
        ],
    )(_sc_body)(x1, y1)

    x2 = y_pred.reshape(n // _COLS, _COLS)
    y2 = y_true.reshape(n // _COLS, _COLS).astype(jnp.int32)
    tc_partials = pl.pallas_call(
        _tc_body,
        grid=(_TC_GRID,),
        in_specs=[
            pl.BlockSpec((_TC_BM, _COLS), lambda i: (i + _TC_ROW_OFF, 0)),
            pl.BlockSpec((_TC_BM, _COLS), lambda i: (i + _TC_ROW_OFF, 0)),
        ],
        out_specs=pl.BlockSpec((_NACC, 8, _COLS), lambda i: (0, 0, 0)),
        out_shape=jax.ShapeDtypeStruct((_NACC, 8, _COLS), jnp.float32),
    )(x2, y2)

    out = pl.pallas_call(
        _finish_body,
        in_specs=[
            pl.BlockSpec((_NW, _ROWS * _L), lambda: (0, 0)),
            pl.BlockSpec((_NACC, 8, _COLS), lambda: (0, 0, 0)),
        ],
        out_specs=pl.BlockSpec(memory_space=pltpu.SMEM),
        out_shape=jax.ShapeDtypeStruct((1, 1), jnp.float32),
    )(sc_partials.reshape(_NW, _ROWS * _L), tc_partials)
    return out[0, 0]

# --- scband reference (transcript-rebuilt; emitter-appended) ---
"""Pipeline reference for scband-ghmbinary-cross-entropy-38620345926182 (READ-ONLY COPY).

The authoritative reference and input builder live on the scoring server;
editing this copy changes nothing except your own understanding.
"""

import jax, jax.numpy as jnp
import numpy as np

BINS = 10
N = 4194304

def setup_inputs(seed: int = 0) -> dict:
    key = jax.random.key(seed)
    k1, k2 = jax.random.split(key)
    y_pred = jax.random.normal(k1, (N, 1), dtype=jnp.float32)
    y_true = jax.random.randint(k2, (N, 1), 0, 2).astype(jnp.int64)
    return {"y_pred": y_pred, "y_true": y_true}

def reference(y_pred, y_true):
    bins = BINS
    edges = jnp.arange(bins + 1, dtype=jnp.float32) / bins
    edges = edges.at[-1].add(1e-06)
    y_t = y_true.astype(jnp.float32)
    label_weight = jnp.ones_like(y_pred)
    valid = label_weight > 0
    # gradient magnitude (detached, as in torch .detach())
    g = jnp.abs(jax.lax.stop_gradient(jax.nn.sigmoid(y_pred)) - y_t)
    tot = jnp.maximum(jnp.sum(valid.astype(jnp.float32)), 1.0)
    # histogram binning: bin index such that edges[i] <= g < edges[i+1]
    idx = jnp.clip(jnp.searchsorted(edges, g.reshape(-1), side='right') - 1, 0, bins - 1)
    counts = jnp.bincount(jnp.where(valid.reshape(-1), idx, bins), length=bins + 1)[:bins].astype(jnp.float32)
    n = jnp.sum((counts > 0).astype(jnp.float32))
    per_sample_count = counts[idx].reshape(g.shape)
    weights = jnp.where((per_sample_count > 0) & valid, tot / jnp.maximum(per_sample_count, 1.0), 0.0)
    weights = jnp.where(n > 0, weights / jnp.maximum(n, 1.0), weights)
    weights = jax.lax.stop_gradient(weights)
    # binary_cross_entropy_with_logits with per-element weight, mean reduction
    x = y_pred
    per_elem = jnp.maximum(x, 0.0) - x * y_t + jnp.log1p(jnp.exp(-jnp.abs(x)))
    loss = jnp.mean(weights * per_elem)
    return loss

if __name__ == "__main__":
    import jax
    _d = setup_inputs()
    print(jax.jit(kernel)(*tuple(_d.values())))

</pallas_src>

<mosaic_0001>
#map = affine_map<(d0, d1) -> (0)>
#map1 = affine_map<(d0, d1) -> (0, 0, 0)>
module attributes {stable_mosaic.version = 14 : i64} {
  func.func @_sc_body(%arg0: i32, %arg1: i32, %arg2: memref<4194304xf32, #tpu.memory_space<hbm>>, %arg3: memref<4194304xi32, #tpu.memory_space<hbm>>, %arg4: memref<32x24x16xf32, #tpu.memory_space<hbm>>, %arg5: memref<8192xf32, #tpu.memory_space<vmem>>, %arg6: memref<8192xi32, #tpu.memory_space<vmem>>, %arg7: memref<24x16xf32, #tpu.memory_space<vmem>>) attributes {dimension_semantics = [#tpu.dimension_semantics<core_parallel>, #tpu.dimension_semantics<subcore_parallel>], iteration_bounds = array<i64: 2, 16>, scalar_prefetch = 0 : i64, scratch_operands = 3 : i64, tpu.core_type = #tpu.core_type<sc_vector_subcore>, window_params = [{transform_indices = #map}, {transform_indices = #map}, {transform_indices = #map1}]} {
    %mul3A = arith.constant 2 : i32
    %mul3A_0 = arith.muli %arg1, %mul3A : i32
    %add3A = arith.addi %mul3A_0, %arg0 : i32
    %mul3A_1 = arith.constant 8192 : i32
    %mul3A_2 = arith.muli %add3A, %mul3A_1 : i32
    %broadcast_in_dim3A = arith.constant 0.000000e+00 : f32
    %broadcast_in_dim3A_3 = vector.broadcast %broadcast_in_dim3A : f32 to vector<16xf32>
    %scan3A = arith.constant 0 : i32
    %mul3A_4 = arith.constant 8192 : i32
    %mul3A_5 = arith.muli %scan3A, %mul3A_4 : i32
    %add3A_6 = arith.addi %mul3A_2, %mul3A_5 : i32
    "tpu.region"() ({
      %run_scoped3A = tpu.sem_alloc : memref<!tpu.dma_semaphore, #tpu.memory_space<semaphore_mem>>
      %dma_start3A = tpu.memref_slice %arg2[%add3A_6] : memref<4194304xf32, #tpu.memory_space<hbm>> -> memref<8192xf32, #tpu.memory_space<hbm>>
      %dma_start3A_160 = tpu.memref_slice %arg2[%add3A_6] : memref<4194304xf32, #tpu.memory_space<hbm>> -> memref<8192xf32, #tpu.memory_space<hbm>>
      tpu.enqueue_dma source(%dma_start3A_160 : memref<8192xf32, #tpu.memory_space<hbm>>) target(%arg5 : memref<8192xf32, #tpu.memory_space<vmem>>) target_semaphore(%run_scoped3A : memref<!tpu.dma_semaphore, #tpu.memory_space<semaphore_mem>>)
      %dma_wait3A = tpu.memref_slice %arg2[%add3A_6] : memref<4194304xf32, #tpu.memory_space<hbm>> -> memref<8192xf32, #tpu.memory_space<hbm>>
      %dma_wait3A_161 = tpu.memref_slice %arg2[%add3A_6] : memref<4194304xf32, #tpu.memory_space<hbm>> -> memref<8192xf32, #tpu.memory_space<hbm>>
      tpu.wait_dma2 semaphore(%run_scoped3A : memref<!tpu.dma_semaphore, #tpu.memory_space<semaphore_mem>>) src(%dma_wait3A_161 : memref<8192xf32, #tpu.memory_space<hbm>>) dst(%arg5 : memref<8192xf32, #tpu.memory_space<vmem>>)
      tpu.yield
    }) : () -> ()
    %mul3A_7 = arith.constant 8192 : i32
    %mul3A_8 = arith.muli %scan3A, %mul3A_7 : i32
    %add3A_9 = arith.addi %mul3A_2, %mul3A_8 : i32
    "tpu.region"() ({
      %run_scoped3A = tpu.sem_alloc : memref<!tpu.dma_semaphore, #tpu.memory_space<semaphore_mem>>
      %dma_start3A = tpu.memref_slice %arg3[%add3A_9] : memref<4194304xi32, #tpu.memory_space<hbm>> -> memref<8192xi32, #tpu.memory_space<hbm>>
      %dma_start3A_160 = tpu.memref_slice %arg3[%add3A_9] : memref<4194304xi32, #tpu.memory_space<hbm>> -> memref<8192xi32, #tpu.memory_space<hbm>>
      tpu.enqueue_dma source(%dma_start3A_160 : memref<8192xi32, #tpu.memory_space<hbm>>) target(%arg6 : memref<8192xi32, #tpu.memory_space<vmem>>) target_semaphore(%run_scoped3A : memref<!tpu.dma_semaphore, #tpu.memory_space<semaphore_mem>>)
      %dma_wait3A = tpu.memref_slice %arg3[%add3A_9] : memref<4194304xi32, #tpu.memory_space<hbm>> -> memref<8192xi32, #tpu.memory_space<hbm>>
      %dma_wait3A_161 = tpu.memref_slice %arg3[%add3A_9] : memref<4194304xi32, #tpu.memory_space<hbm>> -> memref<8192xi32, #tpu.memory_space<hbm>>
      tpu.wait_dma2 semaphore(%run_scoped3A : memref<!tpu.dma_semaphore, #tpu.memory_space<semaphore_mem>>) src(%dma_wait3A_161 : memref<8192xi32, #tpu.memory_space<hbm>>) dst(%arg6 : memref<8192xi32, #tpu.memory_space<vmem>>)
      tpu.yield
    }) : () -> ()
    %scan3A_10 = arith.constant 0 : i32
    %scan3A_11 = arith.constant 512 : i32
    %scan3A_12 = arith.addi %scan3A_10, %scan3A_11 : i32
    %scan3A_13 = arith.constant 1 : i32
    %scan3A_14:19 = scf.for %scan3A_160 = %scan3A_10 to %scan3A_12 step %scan3A_13 iter_args(%scan3A_161 = %broadcast_in_dim3A_3, %scan3A_162 = %broadcast_in_dim3A_3, %scan3A_163 = %broadcast_in_dim3A_3, %scan3A_164 = %broadcast_in_dim3A_3, %scan3A_165 = %broadcast_in_dim3A_3, %scan3A_166 = %broadcast_in_dim3A_3, %scan3A_167 = %broadcast_in_dim3A_3, %scan3A_168 = %broadcast_in_dim3A_3, %scan3A_169 = %broadcast_in_dim3A_3, %scan3A_170 = %broadcast_in_dim3A_3, %scan3A_171 = %broadcast_in_dim3A_3, %scan3A_172 = %broadcast_in_dim3A_3, %scan3A_173 = %broadcast_in_dim3A_3, %scan3A_174 = %broadcast_in_dim3A_3, %scan3A_175 = %broadcast_in_dim3A_3, %scan3A_176 = %broadcast_in_dim3A_3, %scan3A_177 = %broadcast_in_dim3A_3, %scan3A_178 = %broadcast_in_dim3A_3, %scan3A_179 = %broadcast_in_dim3A_3) -> (vector<16xf32>, vector<16xf32>, vector<16xf32>, vector<16xf32>, vector<16xf32>, vector<16xf32>, vector<16xf32>, vector<16xf32>, vector<16xf32>, vector<16xf32>, vector<16xf32>, vector<16xf32>, vector<16xf32>, vector<16xf32>, vector<16xf32>, vector<16xf32>, vector<16xf32>, vector<16xf32>, vector<16xf32>)  : i32 {
      %mul3A_180 = arith.constant 16 : i32
      %mul3A_181 = arith.muli %scan3A_160, %mul3A_180 : i32
      %get3A = arith.index_cast %mul3A_181 : i32 to index
      %get3A_182 = tpu.vector_load %arg5[%get3A] {strides = array<i32>} : memref<8192xf32, #tpu.memory_space<vmem>>, vector<16xf32>,
      %get3A_183 = vector.shape_cast %get3A_182 : vector<16xf32> to vector<16xf32>
      %mul3A_184 = arith.constant 16 : i32
      %mul3A_185 = arith.muli %scan3A_160, %mul3A_184 : i32
      %get3A_186 = arith.index_cast %mul3A_185 : i32 to index
      %get3A_187 = tpu.vector_load %arg6[%get3A_186] {strides = array<i32>} : memref<8192xi32, #tpu.memory_space<vmem>>, vector<16xi32>,
      %get3A_188 = vector.shape_cast %get3A_187 : vector<16xi32> to vector<16xi32>
      %eq3A = arith.constant 0 : i32
      %eq3A_189 = vector.broadcast %eq3A : i32 to vector<16xi32>
      %eq3A_190 = arith.cmpi eq, %get3A_188, %eq3A_189 : vector<16xi32>
      %neg3A = arith.constant 0.000000e+00 : f32
      %neg3A_191 = vector.broadcast %neg3A : f32 to vector<16xf32>
      %neg3A_192 = arith.subf %neg3A_191, %get3A_183 : vector<16xf32>
      %select_n3A = arith.select %eq3A_190, %get3A_183, %neg3A_192 : vector<16xi1>, vector<16xf32>
      %abs3A = math.absf %select_n3A : vector<16xf32>
      %neg3A_193 = arith.constant 0.000000e+00 : f32
      %neg3A_194 = vector.broadcast %neg3A_193 : f32 to vector<16xf32>
      %neg3A_195 = arith.subf %neg3A_194, %abs3A : vector<16xf32>
      %exp3A = math.exp %neg3A_195 : vector<16xf32>
      %add3A_196 = arith.constant 2.000000e+00 : f32
      %add3A_197 = vector.broadcast %add3A_196 : f32 to vector<16xf32>
      %add3A_198 = arith.addf %add3A_197, %exp3A : vector<16xf32>
      %div3A = arith.divf %exp3A, %add3A_198 : vector<16xf32>
      %mul3A_199 = arith.mulf %div3A, %div3A : vector<16xf32>
      %mul3A_200 = arith.constant 2.000000e+00 : f32
      %mul3A_201 = vector.broadcast %mul3A_200 : f32 to vector<16xf32>
      %mul3A_202 = arith.mulf %mul3A_201, %div3A : vector<16xf32>
      %mul3A_203 = arith.constant 0.111111112 : f32
      %mul3A_204 = vector.broadcast %mul3A_203 : f32 to vector<16xf32>
      %mul3A_205 = arith.mulf %mul3A_199, %mul3A_204 : vector<16xf32>
      %add3A_206 = arith.constant 0.142857149 : f32
      %add3A_207 = vector.broadcast %add3A_206 : f32 to vector<16xf32>
      %add3A_208 = arith.addf %add3A_207, %mul3A_205 : vector<16xf32>
      %mul3A_209 = arith.mulf %mul3A_199, %add3A_208 : vector<16xf32>
      %add3A_210 = arith.constant 2.000000e-01 : f32
      %add3A_211 = vector.broadcast %add3A_210 : f32 to vector<16xf32>
      %add3A_212 = arith.addf %add3A_211, %mul3A_209 : vector<16xf32>
      %mul3A_213 = arith.mulf %mul3A_199, %add3A_212 : vector<16xf32>
      %add3A_214 = arith.constant 0.333333343 : f32
      %add3A_215 = vector.broadcast %add3A_214 : f32 to vector<16xf32>
      %add3A_216 = arith.addf %add3A_215, %mul3A_213 : vector<16xf32>
      %mul3A_217 = arith.mulf %mul3A_199, %add3A_216 : vector<16xf32>
      %add3A_218 = arith.constant 1.000000e+00 : f32
      %add3A_219 = vector.broadcast %add3A_218 : f32 to vector<16xf32>
      %add3A_220 = arith.addf %add3A_219, %mul3A_217 : vector<16xf32>
      %mul3A_221 = arith.mulf %mul3A_202, %add3A_220 : vector<16xf32>
      %max3A = arith.constant 0.000000e+00 : f32
      %max3A_222 = vector.broadcast %max3A : f32 to vector<16xf32>
      %max3A_223 = arith.maximumf %select_n3A, %max3A_222 : vector<16xf32>
      %add3A_224 = arith.addf %max3A_223, %mul3A_221 : vector<16xf32>
      %add3A_225 = arith.addf %scan3A_161, %add3A_224 : vector<16xf32>
      %ge3A = arith.constant -2.19722462 : f32
      %ge3A_226 = vector.broadcast %ge3A : f32 to vector<16xf32>
      %ge3A_227 = arith.cmpf oge, %select_n3A, %ge3A_226 : vector<16xf32>
      %jit3A = arith.constant 1.000000e+00 : f32
      %jit3A_228 = arith.constant 0.000000e+00 : f32
      %broadcast_in_dim3A_229 = vector.broadcast %jit3A : f32 to vector<16xf32>
      %broadcast_in_dim3A_230 = vector.broadcast %jit3A_228 : f32 to vector<16xf32>
      %select_n3A_231 = arith.select %ge3A_227, %broadcast_in_dim3A_229, %broadcast_in_dim3A_230 : vector<16xi1>, vector<16xf32>
      %mul3A_232 = arith.mulf %select_n3A_231, %add3A_224 : vector<16xf32>
      %add3A_233 = arith.addf %scan3A_162, %mul3A_232 : vector<16xf32>
      %ge3A_234 = arith.constant -1.38629436 : f32
      %ge3A_235 = vector.broadcast %ge3A_234 : f32 to vector<16xf32>
      %ge3A_236 = arith.cmpf oge, %select_n3A, %ge3A_235 : vector<16xf32>
      %jit3A_237 = arith.constant 1.000000e+00 : f32
      %jit3A_238 = arith.constant 0.000000e+00 : f32
      %broadcast_in_dim3A_239 = vector.broadcast %jit3A_237 : f32 to vector<16xf32>
      %broadcast_in_dim3A_240 = vector.broadcast %jit3A_238 : f32 to vector<16xf32>
      %select_n3A_241 = arith.select %ge3A_236, %broadcast_in_dim3A_239, %broadcast_in_dim3A_240 : vector<16xi1>, vector<16xf32>
      %mul3A_242 = arith.mulf %select_n3A_241, %add3A_224 : vector<16xf32>
      %add3A_243 = arith.addf %scan3A_163, %mul3A_242 : vector<16xf32>
      %ge3A_244 = arith.constant -0.847297787 : f32
      %ge3A_245 = vector.broadcast %ge3A_244 : f32 to vector<16xf32>
      %ge3A_246 = arith.cmpf oge, %select_n3A, %ge3A_245 : vector<16xf32>
      %jit3A_247 = arith.constant 1.000000e+00 : f32
      %jit3A_248 = arith.constant 0.000000e+00 : f32
      %broadcast_in_dim3A_249 = vector.broadcast %jit3A_247 : f32 to vector<16xf32>
      %broadcast_in_dim3A_250 = vector.broadcast %jit3A_248 : f32 to vector<16xf32>
      %select_n3A_251 = arith.select %ge3A_246, %broadcast_in_dim3A_249, %broadcast_in_dim3A_250 : vector<16xi1>, vector<16xf32>
      %mul3A_252 = arith.mulf %select_n3A_251, %add3A_224 : vector<16xf32>
      %add3A_253 = arith.addf %scan3A_164, %mul3A_252 : vector<16xf32>
      %ge3A_254 = arith.constant -0.405465096 : f32
      %ge3A_255 = vector.broadcast %ge3A_254 : f32 to vector<16xf32>
      %ge3A_256 = arith.cmpf oge, %select_n3A, %ge3A_255 : vector<16xf32>
      %jit3A_257 = arith.constant 1.000000e+00 : f32
      %jit3A_258 = arith.constant 0.000000e+00 : f32
      %broadcast_in_dim3A_259 = vector.broadcast %jit3A_257 : f32 to vector<16xf32>
      %broadcast_in_dim3A_260 = vector.broadcast %jit3A_258 : f32 to vector<16xf32>
      %select_n3A_261 = arith.select %ge3A_256, %broadcast_in_dim3A_259, %broadcast_in_dim3A_260 : vector<16xi1>, vector<16xf32>
      %mul3A_262 = arith.mulf %select_n3A_261, %add3A_224 : vector<16xf32>
      %add3A_263 = arith.addf %scan3A_165, %mul3A_262 : vector<16xf32>
      %ge3A_264 = arith.constant 0.000000e+00 : f32
      %ge3A_265 = vector.broadcast %ge3A_264 : f32 to vector<16xf32>
      %ge3A_266 = arith.cmpf oge, %select_n3A, %ge3A_265 : vector<16xf32>
      %jit3A_267 = arith.constant 1.000000e+00 : f32
      %jit3A_268 = arith.constant 0.000000e+00 : f32
      %broadcast_in_dim3A_269 = vector.broadcast %jit3A_267 : f32 to vector<16xf32>
      %broadcast_in_dim3A_270 = vector.broadcast %jit3A_268 : f32 to vector<16xf32>
      %select_n3A_271 = arith.select %ge3A_266, %broadcast_in_dim3A_269, %broadcast_in_dim3A_270 : vector<16xi1>, vector<16xf32>
      %mul3A_272 = arith.mulf %select_n3A_271, %add3A_224 : vector<16xf32>
      %add3A_273 = arith.addf %scan3A_166, %mul3A_272 : vector<16xf32>
      %ge3A_274 = arith.constant 0.405465215 : f32
      %ge3A_275 = vector.broadcast %ge3A_274 : f32 to vector<16xf32>
      %ge3A_276 = arith.cmpf oge, %select_n3A, %ge3A_275 : vector<16xf32>
      %jit3A_277 = arith.constant 1.000000e+00 : f32
      %jit3A_278 = arith.constant 0.000000e+00 : f32
      %broadcast_in_dim3A_279 = vector.broadcast %jit3A_277 : f32 to vector<16xf32>
      %broadcast_in_dim3A_280 = vector.broadcast %jit3A_278 : f32 to vector<16xf32>
      %select_n3A_281 = arith.select %ge3A_276, %broadcast_in_dim3A_279, %broadcast_in_dim3A_280 : vector<16xi1>, vector<16xf32>
      %mul3A_282 = arith.mulf %select_n3A_281, %add3A_224 : vector<16xf32>
      %add3A_283 = arith.addf %scan3A_167, %mul3A_282 : vector<16xf32>
      %ge3A_284 = arith.constant 0.847297787 : f32
      %ge3A_285 = vector.broadcast %ge3A_284 : f32 to vector<16xf32>
      %ge3A_286 = arith.cmpf oge, %select_n3A, %ge3A_285 : vector<16xf32>
      %jit3A_287 = arith.constant 1.000000e+00 : f32
      %jit3A_288 = arith.constant 0.000000e+00 : f32
      %broadcast_in_dim3A_289 = vector.broadcast %jit3A_287 : f32 to vector<16xf32>
      %broadcast_in_dim3A_290 = vector.broadcast %jit3A_288 : f32 to vector<16xf32>
      %select_n3A_291 = arith.select %ge3A_286, %broadcast_in_dim3A_289, %broadcast_in_dim3A_290 : vector<16xi1>, vector<16xf32>
      %mul3A_292 = arith.mulf %select_n3A_291, %add3A_224 : vector<16xf32>
      %add3A_293 = arith.addf %scan3A_168, %mul3A_292 : vector<16xf32>
      %ge3A_294 = arith.constant 1.38629448 : f32
      %ge3A_295 = vector.broadcast %ge3A_294 : f32 to vector<16xf32>
      %ge3A_296 = arith.cmpf oge, %select_n3A, %ge3A_295 : vector<16xf32>
      %jit3A_297 = arith.constant 1.000000e+00 : f32
      %jit3A_298 = arith.constant 0.000000e+00 : f32
      %broadcast_in_dim3A_299 = vector.broadcast %jit3A_297 : f32 to vector<16xf32>
      %broadcast_in_dim3A_300 = vector.broadcast %jit3A_298 : f32 to vector<16xf32>
      %select_n3A_301 = arith.select %ge3A_296, %broadcast_in_dim3A_299, %broadcast_in_dim3A_300 : vector<16xi1>, vector<16xf32>
      %mul3A_302 = arith.mulf %select_n3A_301, %add3A_224 : vector<16xf32>
      %add3A_303 = arith.addf %scan3A_169, %mul3A_302 : vector<16xf32>
      %ge3A_304 = arith.constant 2.19722438 : f32
      %ge3A_305 = vector.broadcast %ge3A_304 : f32 to vector<16xf32>
      %ge3A_306 = arith.cmpf oge, %select_n3A, %ge3A_305 : vector<16xf32>
      %jit3A_307 = arith.constant 1.000000e+00 : f32
      %jit3A_308 = arith.constant 0.000000e+00 : f32
      %broadcast_in_dim3A_309 = vector.broadcast %jit3A_307 : f32 to vector<16xf32>
      %broadcast_in_dim3A_310 = vector.broadcast %jit3A_308 : f32 to vector<16xf32>
      %select_n3A_311 = arith.select %ge3A_306, %broadcast_in_dim3A_309, %broadcast_in_dim3A_310 : vector<16xi1>, vector<16xf32>
      %mul3A_312 = arith.mulf %select_n3A_311, %add3A_224 : vector<16xf32>
      %add3A_313 = arith.addf %scan3A_170, %mul3A_312 : vector<16xf32>
      %ge3A_314 = arith.constant -2.19722462 : f32
      %ge3A_315 = vector.broadcast %ge3A_314 : f32 to vector<16xf32>
      %ge3A_316 = arith.cmpf oge, %select_n3A, %ge3A_315 : vector<16xf32>
      %jit3A_317 = arith.constant 1.000000e+00 : f32
      %jit3A_318 = arith.constant 0.000000e+00 : f32
      %broadcast_in_dim3A_319 = vector.broadcast %jit3A_317 : f32 to vector<16xf32>
      %broadcast_in_dim3A_320 = vector.broadcast %jit3A_318 : f32 to vector<16xf32>
      %select_n3A_321 = arith.select %ge3A_316, %broadcast_in_dim3A_319, %broadcast_in_dim3A_320 : vector<16xi1>, vector<16xf32>
      %add3A_322 = arith.addf %scan3A_171, %select_n3A_321 : vector<16xf32>
      %ge3A_323 = arith.constant -1.38629436 : f32
      %ge3A_324 = vector.broadcast %ge3A_323 : f32 to vector<16xf32>
      %ge3A_325 = arith.cmpf oge, %select_n3A, %ge3A_324 : vector<16xf32>
      %jit3A_326 = arith.constant 1.000000e+00 : f32
      %jit3A_327 = arith.constant 0.000000e+00 : f32
      %broadcast_in_dim3A_328 = vector.broadcast %jit3A_326 : f32 to vector<16xf32>
      %broadcast_in_dim3A_329 = vector.broadcast %jit3A_327 : f32 to vector<16xf32>
      %select_n3A_330 = arith.select %ge3A_325, %broadcast_in_dim3A_328, %broadcast_in_dim3A_329 : vector<16xi1>, vector<16xf32>
      %add3A_331 = arith.addf %scan3A_172, %select_n3A_330 : vector<16xf32>
      %ge3A_332 = arith.constant -0.847297787 : f32
      %ge3A_333 = vector.broadcast %ge3A_332 : f32 to vector<16xf32>
      %ge3A_334 = arith.cmpf oge, %select_n3A, %ge3A_333 : vector<16xf32>
      %jit3A_335 = arith.constant 1.000000e+00 : f32
      %jit3A_336 = arith.constant 0.000000e+00 : f32
      %broadcast_in_dim3A_337 = vector.broadcast %jit3A_335 : f32 to vector<16xf32>
      %broadcast_in_dim3A_338 = vector.broadcast %jit3A_336 : f32 to vector<16xf32>
      %select_n3A_339 = arith.select %ge3A_334, %broadcast_in_dim3A_337, %broadcast_in_dim3A_338 : vector<16xi1>, vector<16xf32>
      %add3A_340 = arith.addf %scan3A_173, %select_n3A_339 : vector<16xf32>
      %ge3A_341 = arith.constant -0.405465096 : f32
      %ge3A_342 = vector.broadcast %ge3A_341 : f32 to vector<16xf32>
      %ge3A_343 = arith.cmpf oge, %select_n3A, %ge3A_342 : vector<16xf32>
      %jit3A_344 = arith.constant 1.000000e+00 : f32
      %jit3A_345 = arith.constant 0.000000e+00 : f32
      %broadcast_in_dim3A_346 = vector.broadcast %jit3A_344 : f32 to vector<16xf32>
      %broadcast_in_dim3A_347 = vector.broadcast %jit3A_345 : f32 to vector<16xf32>
      %select_n3A_348 = arith.select %ge3A_343, %broadcast_in_dim3A_346, %broadcast_in_dim3A_347 : vector<16xi1>, vector<16xf32>
      %add3A_349 = arith.addf %scan3A_174, %select_n3A_348 : vector<16xf32>
      %ge3A_350 = arith.constant 0.000000e+00 : f32
      %ge3A_351 = vector.broadcast %ge3A_350 : f32 to vector<16xf32>
      %ge3A_352 = arith.cmpf oge, %select_n3A, %ge3A_351 : vector<16xf32>
      %jit3A_353 = arith.constant 1.000000e+00 : f32
      %jit3A_354 = arith.constant 0.000000e+00 : f32
      %broadcast_in_dim3A_355 = vector.broadcast %jit3A_353 : f32 to vector<16xf32>
      %broadcast_in_dim3A_356 = vector.broadcast %jit3A_354 : f32 to vector<16xf32>
      %select_n3A_357 = arith.select %ge3A_352, %broadcast_in_dim3A_355, %broadcast_in_dim3A_356 : vector<16xi1>, vector<16xf32>
      %add3A_358 = arith.addf %scan3A_175, %select_n3A_357 : vector<16xf32>
      %ge3A_359 = arith.constant 0.405465215 : f32
      %ge3A_360 = vector.broadcast %ge3A_359 : f32 to vector<16xf32>
      %ge3A_361 = arith.cmpf oge, %select_n3A, %ge3A_360 : vector<16xf32>
      %jit3A_362 = arith.constant 1.000000e+00 : f32
      %jit3A_363 = arith.constant 0.000000e+00 : f32
      %broadcast_in_dim3A_364 = vector.broadcast %jit3A_362 : f32 to vector<16xf32>
      %broadcast_in_dim3A_365 = vector.broadcast %jit3A_363 : f32 to vector<16xf32>
      %select_n3A_366 = arith.select %ge3A_361, %broadcast_in_dim3A_364, %broadcast_in_dim3A_365 : vector<16xi1>, vector<16xf32>
      %add3A_367 = arith.addf %scan3A_176, %select_n3A_366 : vector<16xf32>
      %ge3A_368 = arith.constant 0.847297787 : f32
      %ge3A_369 = vector.broadcast %ge3A_368 : f32 to vector<16xf32>
      %ge3A_370 = arith.cmpf oge, %select_n3A, %ge3A_369 : vector<16xf32>
      %jit3A_371 = arith.constant 1.000000e+00 : f32
      %jit3A_372 = arith.constant 0.000000e+00 : f32
      %broadcast_in_dim3A_373 = vector.broadcast %jit3A_371 : f32 to vector<16xf32>
      %broadcast_in_dim3A_374 = vector.broadcast %jit3A_372 : f32 to vector<16xf32>
      %select_n3A_375 = arith.select %ge3A_370, %broadcast_in_dim3A_373, %broadcast_in_dim3A_374 : vector<16xi1>, vector<16xf32>
      %add3A_376 = arith.addf %scan3A_177, %select_n3A_375 : vector<16xf32>
      %ge3A_377 = arith.constant 1.38629448 : f32
      %ge3A_378 = vector.broadcast %ge3A_377 : f32 to vector<16xf32>
      %ge3A_379 = arith.cmpf oge, %select_n3A, %ge3A_378 : vector<16xf32>
      %jit3A_380 = arith.constant 1.000000e+00 : f32
      %jit3A_381 = arith.constant 0.000000e+00 : f32
      %broadcast_in_dim3A_382 = vector.broadcast %jit3A_380 : f32 to vector<16xf32>
      %broadcast_in_dim3A_383 = vector.broadcast %jit3A_381 : f32 to vector<16xf32>
      %select_n3A_384 = arith.select %ge3A_379, %broadcast_in_dim3A_382, %broadcast_in_dim3A_383 : vector<16xi1>, vector<16xf32>
      %add3A_385 = arith.addf %scan3A_178, %select_n3A_384 : vector<16xf32>
      %ge3A_386 = arith.constant 2.19722438 : f32
      %ge3A_387 = vector.broadcast %ge3A_386 : f32 to vector<16xf32>
      %ge3A_388 = arith.cmpf oge, %select_n3A, %ge3A_387 : vector<16xf32>
      %jit3A_389 = arith.constant 1.000000e+00 : f32
      %jit3A_390 = arith.constant 0.000000e+00 : f32
      %broadcast_in_dim3A_391 = vector.broadcast %jit3A_389 : f32 to vector<16xf32>
      %broadcast_in_dim3A_392 = vector.broadcast %jit3A_390 : f32 to vector<16xf32>
      %select_n3A_393 = arith.select %ge3A_388, %broadcast_in_dim3A_391, %broadcast_in_dim3A_392 : vector<16xi1>, vector<16xf32>
      %add3A_394 = arith.addf %scan3A_179, %select_n3A_393 : vector<16xf32>
      scf.yield %add3A_225, %add3A_233, %add3A_243, %add3A_253, %add3A_263, %add3A_273, %add3A_283, %add3A_293, %add3A_303, %add3A_313, %add3A_322, %add3A_331, %add3A_340, %add3A_349, %add3A_358, %add3A_367, %add3A_376, %add3A_385, %add3A_394 : vector<16xf32>, vector<16xf32>, vector<16xf32>, vector<16xf32>, vector<16xf32>, vector<16xf32>, vector<16xf32>, vector<16xf32>, vector<16xf32>, vector<16xf32>, vector<16xf32>, vector<16xf32>, vector<16xf32>, vector<16xf32>, vector<16xf32>, vector<16xf32>, vector<16xf32>, vector<16xf32>, vector<16xf32>
    }
    %scan3A_15 = arith.constant 512 : i32
    %scan3A_16 = arith.constant 1 : i32
    %swap3A = arith.constant 0 : i32
    %swap3A_17 = arith.index_cast %swap3A : i32 to index
    %swap3A_18 = arith.constant 0 : index
    %swap3A_19 = tpu.vector_load %arg7[%swap3A_17, %swap3A_18] {strides = array<i32>} : memref<24x16xf32, #tpu.memory_space<vmem>>, vector<1x16xf32>,
    %swap3A_20 = vector.shape_cast %swap3A_19 : vector<1x16xf32> to vector<16xf32>
    %swap3A_21 = vector.shape_cast %scan3A_14#0 : vector<16xf32> to vector<1x16xf32>
    tpu.vector_store %arg7[%swap3A_17, %swap3A_18], %swap3A_21 {strides = array<i32>} : memref<24x16xf32, #tpu.memory_space<vmem>>, vector<1x16xf32>,
    %swap3A_22 = arith.constant 1 : i32
    %swap3A_23 = arith.index_cast %swap3A_22 : i32 to index
    %swap3A_24 = arith.constant 0 : index
    %swap3A_25 = tpu.vector_load %arg7[%swap3A_23, %swap3A_24] {strides = array<i32>} : memref<24x16xf32, #tpu.memory_space<vmem>>, vector<1x16xf32>,
    %swap3A_26 = vector.shape_cast %swap3A_25 : vector<1x16xf32> to vector<16xf32>
    %swap3A_27 = vector.shape_cast %scan3A_14#1 : vector<16xf32> to vector<1x16xf32>
    tpu.vector_store %arg7[%swap3A_23, %swap3A_24], %swap3A_27 {strides = array<i32>} : memref<24x16xf32, #tpu.memory_space<vmem>>, vector<1x16xf32>,
    %swap3A_28 = arith.constant 2 : i32
    %swap3A_29 = arith.index_cast %swap3A_28 : i32 to index
    %swap3A_30 = arith.constant 0 : index
    %swap3A_31 = tpu.vector_load %arg7[%swap3A_29, %swap3A_30] {strides = array<i32>} : memref<24x16xf32, #tpu.memory_space<vmem>>, vector<1x16xf32>,
    %swap3A_32 = vector.shape_cast %swap3A_31 : vector<1x16xf32> to vector<16xf32>
    %swap3A_33 = vector.shape_cast %scan3A_14#2 : vector<16xf32> to vector<1x16xf32>
    tpu.vector_store %arg7[%swap3A_29, %swap3A_30], %swap3A_33 {strides = array<i32>} : memref<24x16xf32, #tpu.memory_space<vmem>>, vector<1x16xf32>,
    %swap3A_34 = arith.constant 3 : i32
    %swap3A_35 = arith.index_cast %swap3A_34 : i32 to index
    %swap3A_36 = arith.constant 0 : index
    %swap3A_37 = tpu.vector_load %arg7[%swap3A_35, %swap3A_36] {strides = array<i32>} : memref<24x16xf32, #tpu.memory_space<vmem>>, vector<1x16xf32>,
    %swap3A_38 = vector.shape_cast %swap3A_37 : vector<1x16xf32> to vector<16xf32>
    %swap3A_39 = vector.shape_cast %scan3A_14#3 : vector<16xf32> to vector<1x16xf32>
    tpu.vector_store %arg7[%swap3A_35, %swap3A_36], %swap3A_39 {strides = array<i32>} : memref<24x16xf32, #tpu.memory_space<vmem>>, vector<1x16xf32>,
    %swap3A_40 = arith.constant 4 : i32
    %swap3A_41 = arith.index_cast %swap3A_40 : i32 to index
    %swap3A_42 = arith.constant 0 : index
    %swap3A_43 = tpu.vector_load %arg7[%swap3A_41, %swap3A_42] {strides = array<i32>} : memref<24x16xf32, #tpu.memory_space<vmem>>, vector<1x16xf32>,
    %swap3A_44 = vector.shape_cast %swap3A_43 : vector<1x16xf32> to vector<16xf32>
    %swap3A_45 = vector.shape_cast %scan3A_14#4 : vector<16xf32> to vector<1x16xf32>
    tpu.vector_store %arg7[%swap3A_41, %swap3A_42], %swap3A_45 {strides = array<i32>} : memref<24x16xf32, #tpu.memory_space<vmem>>, vector<1x16xf32>,
    %swap3A_46 = arith.constant 5 : i32
    %swap3A_47 = arith.index_cast %swap3A_46 : i32 to index
    %swap3A_48 = arith.constant 0 : index
    %swap3A_49 = tpu.vector_load %arg7[%swap3A_47, %swap3A_48] {strides = array<i32>} : memref<24x16xf32, #tpu.memory_space<vmem>>, vector<1x16xf32>,
    %swap3A_50 = vector.shape_cast %swap3A_49 : vector<1x16xf32> to vector<16xf32>
    %swap3A_51 = vector.shape_cast %scan3A_14#5 : vector<16xf32> to vector<1x16xf32>
    tpu.vector_store %arg7[%swap3A_47, %swap3A_48], %swap3A_51 {strides = array<i32>} : memref<24x16xf32, #tpu.memory_space<vmem>>, vector<1x16xf32>,
    %swap3A_52 = arith.constant 6 : i32
    %swap3A_53 = arith.index_cast %swap3A_52 : i32 to index
    %swap3A_54 = arith.constant 0 : index
    %swap3A_55 = tpu.vector_load %arg7[%swap3A_53, %swap3A_54] {strides = array<i32>} : memref<24x16xf32, #tpu.memory_space<vmem>>, vector<1x16xf32>,
    %swap3A_56 = vector.shape_cast %swap3A_55 : vector<1x16xf32> to vector<16xf32>
    %swap3A_57 = vector.shape_cast %scan3A_14#6 : vector<16xf32> to vector<1x16xf32>
    tpu.vector_store %arg7[%swap3A_53, %swap3A_54], %swap3A_57 {strides = array<i32>} : memref<24x16xf32, #tpu.memory_space<vmem>>, vector<1x16xf32>,
    %swap3A_58 = arith.constant 7 : i32
    %swap3A_59 = arith.index_cast %swap3A_58 : i32 to index
    %swap3A_60 = arith.constant 0 : index
    %swap3A_61 = tpu.vector_load %arg7[%swap3A_59, %swap3A_60] {strides = array<i32>} : memref<24x16xf32, #tpu.memory_space<vmem>>, vector<1x16xf32>,
    %swap3A_62 = vector.shape_cast %swap3A_61 : vector<1x16xf32> to vector<16xf32>
    %swap3A_63 = vector.shape_cast %scan3A_14#7 : vector<16xf32> to vector<1x16xf32>
    tpu.vector_store %arg7[%swap3A_59, %swap3A_60], %swap3A_63 {strides = array<i32>} : memref<24x16xf32, #tpu.memory_space<vmem>>, vector<1x16xf32>,
    %swap3A_64 = arith.constant 8 : i32
    %swap3A_65 = arith.index_cast %swap3A_64 : i32 to index
    %swap3A_66 = arith.constant 0 : index
    %swap3A_67 = tpu.vector_load %arg7[%swap3A_65, %swap3A_66] {strides = array<i32>} : memref<24x16xf32, #tpu.memory_space<vmem>>, vector<1x16xf32>,
    %swap3A_68 = vector.shape_cast %swap3A_67 : vector<1x16xf32> to vector<16xf32>
    %swap3A_69 = vector.shape_cast %scan3A_14#8 : vector<16xf32> to vector<1x16xf32>
    tpu.vector_store %arg7[%swap3A_65, %swap3A_66], %swap3A_69 {strides = array<i32>} : memref<24x16xf32, #tpu.memory_space<vmem>>, vector<1x16xf32>,
    %swap3A_70 = arith.constant 9 : i32
    %swap3A_71 = arith.index_cast %swap3A_70 : i32 to index
    %swap3A_72 = arith.constant 0 : index
    %swap3A_73 = tpu.vector_load %arg7[%swap3A_71, %swap3A_72] {strides = array<i32>} : memref<24x16xf32, #tpu.memory_space<vmem>>, vector<1x16xf32>,
    %swap3A_74 = vector.shape_cast %swap3A_73 : vector<1x16xf32> to vector<16xf32>
    %swap3A_75 = vector.shape_cast %scan3A_14#9 : vector<16xf32> to vector<1x16xf32>
    tpu.vector_store %arg7[%swap3A_71, %swap3A_72], %swap3A_75 {strides = array<i32>} : memref<24x16xf32, #tpu.memory_space<vmem>>, vector<1x16xf32>,
    %swap3A_76 = arith.constant 10 : i32
    %swap3A_77 = arith.index_cast %swap3A_76 : i32 to index
    %swap3A_78 = arith.constant 0 : index
    %swap3A_79 = tpu.vector_load %arg7[%swap3A_77, %swap3A_78] {strides = array<i32>} : memref<24x16xf32, #tpu.memory_space<vmem>>, vector<1x16xf32>,
    %swap3A_80 = vector.shape_cast %swap3A_79 : vector<1x16xf32> to vector<16xf32>
    %swap3A_81 = vector.shape_cast %scan3A_14#10 : vector<16xf32> to vector<1x16xf32>
    tpu.vector_store %arg7[%swap3A_77, %swap3A_78], %swap3A_81 {strides = array<i32>} : memref<24x16xf32, #tpu.memory_space<vmem>>, vector<1x16xf32>,
    %swap3A_82 = arith.constant 11 : i32
    %swap3A_83 = arith.index_cast %swap3A_82 : i32 to index
    %swap3A_84 = arith.constant 0 : index
    %swap3A_85 = tpu.vector_load %arg7[%swap3A_83, %swap3A_84] {strides = array<i32>} : memref<24x16xf32, #tpu.memory_space<vmem>>, vector<1x16xf32>,
    %swap3A_86 = vector.shape_cast %swap3A_85 : vector<1x16xf32> to vector<16xf32>
    %swap3A_87 = vector.shape_cast %scan3A_14#11 : vector<16xf32> to vector<1x16xf32>
    tpu.vector_store %arg7[%swap3A_83, %swap3A_84], %swap3A_87 {strides = array<i32>} : memref<24x16xf32, #tpu.memory_space<vmem>>, vector<1x16xf32>,
    %swap3A_88 = arith.constant 12 : i32
    %swap3A_89 = arith.index_cast %swap3A_88 : i32 to index
    %swap3A_90 = arith.constant 0 : index
    %swap3A_91 = tpu.vector_load %arg7[%swap3A_89, %swap3A_90] {strides = array<i32>} : memref<24x16xf32, #tpu.memory_space<vmem>>, vector<1x16xf32>,
    %swap3A_92 = vector.shape_cast %swap3A_91 : vector<1x16xf32> to vector<16xf32>
    %swap3A_93 = vector.shape_cast %scan3A_14#12 : vector<16xf32> to vector<1x16xf32>
    tpu.vector_store %arg7[%swap3A_89, %swap3A_90], %swap3A_93 {strides = array<i32>} : memref<24x16xf32, #tpu.memory_space<vmem>>, vector<1x16xf32>,
    %swap3A_94 = arith.constant 13 : i32
    %swap3A_95 = arith.index_cast %swap3A_94 : i32 to index
    %swap3A_96 = arith.constant 0 : index
    %swap3A_97 = tpu.vector_load %arg7[%swap3A_95, %swap3A_96] {strides = array<i32>} : memref<24x16xf32, #tpu.memory_space<vmem>>, vector<1x16xf32>,
    %swap3A_98 = vector.shape_cast %swap3A_97 : vector<1x16xf32> to vector<16xf32>
    %swap3A_99 = vector.shape_cast %scan3A_14#13 : vector<16xf32> to vector<1x16xf32>
    tpu.vector_store %arg7[%swap3A_95, %swap3A_96], %swap3A_99 {strides = array<i32>} : memref<24x16xf32, #tpu.memory_space<vmem>>, vector<1x16xf32>,
    %swap3A_100 = arith.constant 14 : i32
    %swap3A_101 = arith.index_cast %swap3A_100 : i32 to index
    %swap3A_102 = arith.constant 0 : index
    %swap3A_103 = tpu.vector_load %arg7[%swap3A_101, %swap3A_102] {strides = array<i32>} : memref<24x16xf32, #tpu.memory_space<vmem>>, vector<1x16xf32>,
    %swap3A_104 = vector.shape_cast %swap3A_103 : vector<1x16xf32> to vector<16xf32>
    %swap3A_105 = vector.shape_cast %scan3A_14#14 : vector<16xf32> to vector<1x16xf32>
    tpu.vector_store %arg7[%swap3A_101, %swap3A_102], %swap3A_105 {strides = array<i32>} : memref<24x16xf32, #tpu.memory_space<vmem>>, vector<1x16xf32>,
    %swap3A_106 = arith.constant 15 : i32
    %swap3A_107 = arith.index_cast %swap3A_106 : i32 to index
    %swap3A_108 = arith.constant 0 : index
    %swap3A_109 = tpu.vector_load %arg7[%swap3A_107, %swap3A_108] {strides = array<i32>} : memref<24x16xf32, #tpu.memory_space<vmem>>, vector<1x16xf32>,
    %swap3A_110 = vector.shape_cast %swap3A_109 : vector<1x16xf32> to vector<16xf32>
    %swap3A_111 = vector.shape_cast %scan3A_14#15 : vector<16xf32> to vector<1x16xf32>
    tpu.vector_store %arg7[%swap3A_107, %swap3A_108], %swap3A_111 {strides = array<i32>} : memref<24x16xf32, #tpu.memory_space<vmem>>, vector<1x16xf32>,
    %swap3A_112 = arith.constant 16 : i32
    %swap3A_113 = arith.index_cast %swap3A_112 : i32 to index
    %swap3A_114 = arith.constant 0 : index
    %swap3A_115 = tpu.vector_load %arg7[%swap3A_113, %swap3A_114] {strides = array<i32>} : memref<24x16xf32, #tpu.memory_space<vmem>>, vector<1x16xf32>,
    %swap3A_116 = vector.shape_cast %swap3A_115 : vector<1x16xf32> to vector<16xf32>
    %swap3A_117 = vector.shape_cast %scan3A_14#16 : vector<16xf32> to vector<1x16xf32>
    tpu.vector_store %arg7[%swap3A_113, %swap3A_114], %swap3A_117 {strides = array<i32>} : memref<24x16xf32, #tpu.memory_space<vmem>>, vector<1x16xf32>,
    %swap3A_118 = arith.constant 17 : i32
    %swap3A_119 = arith.index_cast %swap3A_118 : i32 to index
    %swap3A_120 = arith.constant 0 : index
    %swap3A_121 = tpu.vector_load %arg7[%swap3A_119, %swap3A_120] {strides = array<i32>} : memref<24x16xf32, #tpu.memory_space<vmem>>, vector<1x16xf32>,
    %swap3A_122 = vector.shape_cast %swap3A_121 : vector<1x16xf32> to vector<16xf32>
    %swap3A_123 = vector.shape_cast %scan3A_14#17 : vector<16xf32> to vector<1x16xf32>
    tpu.vector_store %arg7[%swap3A_119, %swap3A_120], %swap3A_123 {strides = array<i32>} : memref<24x16xf32, #tpu.memory_space<vmem>>, vector<1x16xf32>,
    %swap3A_124 = arith.constant 18 : i32
    %swap3A_125 = arith.index_cast %swap3A_124 : i32 to index
    %swap3A_126 = arith.constant 0 : index
    %swap3A_127 = tpu.vector_load %arg7[%swap3A_125, %swap3A_126] {strides = array<i32>} : memref<24x16xf32, #tpu.memory_space<vmem>>, vector<1x16xf32>,
    %swap3A_128 = vector.shape_cast %swap3A_127 : vector<1x16xf32> to vector<16xf32>
    %swap3A_129 = vector.shape_cast %scan3A_14#18 : vector<16xf32> to vector<1x16xf32>
    tpu.vector_store %arg7[%swap3A_125, %swap3A_126], %swap3A_129 {strides = array<i32>} : memref<24x16xf32, #tpu.memory_space<vmem>>, vector<1x16xf32>,
    %swap3A_130 = arith.constant 19 : i32
    %swap3A_131 = arith.index_cast %swap3A_130 : i32 to index
    %swap3A_132 = arith.constant 0 : index
    %swap3A_133 = tpu.vector_load %arg7[%swap3A_131, %swap3A_132] {strides = array<i32>} : memref<24x16xf32, #tpu.memory_space<vmem>>, vector<1x16xf32>,
    %swap3A_134 = vector.shape_cast %swap3A_133 : vector<1x16xf32> to vector<16xf32>
    %swap3A_135 = vector.shape_cast %broadcast_in_dim3A_3 : vector<16xf32> to vector<1x16xf32>
    tpu.vector_store %arg7[%swap3A_131, %swap3A_132], %swap3A_135 {strides = array<i32>} : memref<24x16xf32, #tpu.memory_space<vmem>>, vector<1x16xf32>,
    %swap3A_136 = arith.constant 20 : i32
    %swap3A_137 = arith.index_cast %swap3A_136 : i32 to index
    %swap3A_138 = arith.constant 0 : index
    %swap3A_139 = tpu.vector_load %arg7[%swap3A_137, %swap3A_138] {strides = array<i32>} : memref<24x16xf32, #tpu.memory_space<vmem>>, vector<1x16xf32>,
    %swap3A_140 = vector.shape_cast %swap3A_139 : vector<1x16xf32> to vector<16xf32>
    %swap3A_141 = vector.shape_cast %broadcast_in_dim3A_3 : vector<16xf32> to vector<1x16xf32>
    tpu.vector_store %arg7[%swap3A_137, %swap3A_138], %swap3A_141 {strides = array<i32>} : memref<24x16xf32, #tpu.memory_space<vmem>>, vector<1x16xf32>,
    %swap3A_142 = arith.constant 21 : i32
    %swap3A_143 = arith.index_cast %swap3A_142 : i32 to index
    %swap3A_144 = arith.constant 0 : index
    %swap3A_145 = tpu.vector_load %arg7[%swap3A_143, %swap3A_144] {strides = array<i32>} : memref<24x16xf32, #tpu.memory_space<vmem>>, vector<1x16xf32>,
    %swap3A_146 = vector.shape_cast %swap3A_145 : vector<1x16xf32> to vector<16xf32>
    %swap3A_147 = vector.shape_cast %broadcast_in_dim3A_3 : vector<16xf32> to vector<1x16xf32>
    tpu.vector_store %arg7[%swap3A_143, %swap3A_144], %swap3A_147 {strides = array<i32>} : memref<24x16xf32, #tpu.memory_space<vmem>>, vector<1x16xf32>,
    %swap3A_148 = arith.constant 22 : i32
    %swap3A_149 = arith.index_cast %swap3A_148 : i32 to index
    %swap3A_150 = arith.constant 0 : index
    %swap3A_151 = tpu.vector_load %arg7[%swap3A_149, %swap3A_150] {strides = array<i32>} : memref<24x16xf32, #tpu.memory_space<vmem>>, vector<1x16xf32>,
    %swap3A_152 = vector.shape_cast %swap3A_151 : vector<1x16xf32> to vector<16xf32>
    %swap3A_153 = vector.shape_cast %broadcast_in_dim3A_3 : vector<16xf32> to vector<1x16xf32>
    tpu.vector_store %arg7[%swap3A_149, %swap3A_150], %swap3A_153 {strides = array<i32>} : memref<24x16xf32, #tpu.memory_space<vmem>>, vector<1x16xf32>,
    %swap3A_154 = arith.constant 23 : i32
    %swap3A_155 = arith.index_cast %swap3A_154 : i32 to index
    %swap3A_156 = arith.constant 0 : index
    %swap3A_157 = tpu.vector_load %arg7[%swap3A_155, %swap3A_156] {strides = array<i32>} : memref<24x16xf32, #tpu.memory_space<vmem>>, vector<1x16xf32>,
    %swap3A_158 = vector.shape_cast %swap3A_157 : vector<1x16xf32> to vector<16xf32>
    %swap3A_159 = vector.shape_cast %broadcast_in_dim3A_3 : vector<16xf32> to vector<1x16xf32>
    tpu.vector_store %arg7[%swap3A_155, %swap3A_156], %swap3A_159 {strides = array<i32>} : memref<24x16xf32, #tpu.memory_space<vmem>>, vector<1x16xf32>,
    "tpu.region"() ({
      %run_scoped3A = tpu.sem_alloc : memref<!tpu.dma_semaphore, #tpu.memory_space<semaphore_mem>>
      %dma_start3A = arith.constant 0 : i32
      %dma_start3A_160 = arith.constant 0 : i32
      %dma_start3A_161 = tpu.memref_slice %arg4[%add3A, %dma_start3A, %dma_start3A_160] : memref<32x24x16xf32, #tpu.memory_space<hbm>> -> memref<1x24x16xf32, #tpu.memory_space<hbm>>
      %dma_start3A_162 = tpu.memref_squeeze %dma_start3A_161 : memref<1x24x16xf32, #tpu.memory_space<hbm>> -> memref<24x16xf32, #tpu.memory_space<hbm>>
      %dma_start3A_163 = arith.constant 0 : i32
      %dma_start3A_164 = arith.constant 0 : i32
      %dma_start3A_165 = tpu.memref_slice %arg4[%add3A, %dma_start3A_163, %dma_start3A_164] : memref<32x24x16xf32, #tpu.memory_space<hbm>> -> memref<1x24x16xf32, #tpu.memory_space<hbm>>
      %dma_start3A_166 = tpu.memref_squeeze %dma_start3A_165 : memref<1x24x16xf32, #tpu.memory_space<hbm>> -> memref<24x16xf32, #tpu.memory_space<hbm>>
      tpu.enqueue_dma source(%arg7 : memref<24x16xf32, #tpu.memory_space<vmem>>) target(%dma_start3A_166 : memref<24x16xf32, #tpu.memory_space<hbm>>) target_semaphore(%run_scoped3A : memref<!tpu.dma_semaphore, #tpu.memory_space<semaphore_mem>>)
      %dma_wait3A = arith.constant 0 : i32
      %dma_wait3A_167 = arith.constant 0 : i32
      %dma_wait3A_168 = tpu.memref_slice %arg4[%add3A, %dma_wait3A, %dma_wait3A_167] : memref<32x24x16xf32, #tpu.memory_space<hbm>> -> memref<1x24x16xf32, #tpu.memory_space<hbm>>
      %dma_wait3A_169 = tpu.memref_squeeze %dma_wait3A_168 : memref<1x24x16xf32, #tpu.memory_space<hbm>> -> memref<24x16xf32, #tpu.memory_space<hbm>>
      %dma_wait3A_170 = arith.constant 0 : i32
      %dma_wait3A_171 = arith.constant 0 : i32
      %dma_wait3A_172 = tpu.memref_slice %arg4[%add3A, %dma_wait3A_170, %dma_wait3A_171] : memref<32x24x16xf32, #tpu.memory_space<hbm>> -> memref<1x24x16xf32, #tpu.memory_space<hbm>>
      %dma_wait3A_173 = tpu.memref_squeeze %dma_wait3A_172 : memref<1x24x16xf32, #tpu.memory_space<hbm>> -> memref<24x16xf32, #tpu.memory_space<hbm>>
      tpu.wait_dma2 semaphore(%run_scoped3A : memref<!tpu.dma_semaphore, #tpu.memory_space<semaphore_mem>>) src(%arg7 : memref<24x16xf32, #tpu.memory_space<vmem>>) dst(%dma_wait3A_173 : memref<24x16xf32, #tpu.memory_space<hbm>>)
      tpu.yield
    }) : () -> ()
    return
  }
}

module attributes {stable_mosaic.version = 14 : i64} {
  func.func @_finish_body(%arg0: memref<32x384xf32, #tpu.memory_space<vmem>>, %arg1: memref<19x8x128xf32, #tpu.memory_space<vmem>>, %arg2: memref<1x1xf32, #tpu.memory_space<smem>>) attributes {dimension_semantics = [], scalar_prefetch = 0 : i64, scratch_operands = 0 : i64, tpu.core_type = #tpu.core_type<tc>} {
    %get3A = arith.constant 0 : index
    %get3A_0 = arith.constant 0 : index
    %get3A_1 = vector.load %arg0[%get3A, %get3A_0] : memref<32x384xf32, #tpu.memory_space<vmem>>, vector<32x384xf32>
    %reduce_sum3A = arith.constant dense<0.000000e+00> : vector<384xf32>
    %reduce_sum3A_2 = vector.multi_reduction <add>, %get3A_1, %reduce_sum3A [0] : vector<32x384xf32> to vector<384xf32>
    %get3A_3 = arith.constant 0 : index
    %get3A_4 = arith.constant 0 : index
    %get3A_5 = arith.constant 0 : index
    %get3A_6 = vector.load %arg1[%get3A_3, %get3A_4, %get3A_5] : memref<19x8x128xf32, #tpu.memory_space<vmem>>, vector<1x8x128xf32>
    %get3A_7 = vector.shape_cast %get3A_6 : vector<1x8x128xf32> to vector<8x128xf32>
    %slice3A = vector.extract_strided_slice %get3A_7 {offsets = [0, 0], sizes = [1, 128], strides = [1, 1]} : vector<8x128xf32> to vector<1x128xf32>
    %squeeze3A = vector.shape_cast %slice3A : vector<1x128xf32> to vector<128xf32>
    %reduce_sum3A_8 = vector.shape_cast %squeeze3A : vector<128xf32> to vector<1x128xf32>
    %reduce_sum3A_9 = arith.constant dense<0.000000e+00> : vector<1xf32>
    %reduce_sum3A_10 = vector.multi_reduction <add>, %reduce_sum3A_8, %reduce_sum3A_9 [1] : vector<1x128xf32> to vector<1xf32>
    %reduce_sum3A_11 = vector.shape_cast %reduce_sum3A_10 : vector<1xf32> to vector<1x1xf32>
    %reduce_sum3A_12 = vector.extract %reduce_sum3A_11[0, 0] : f32 from vector<1x1xf32>
    %slice3A_13 = vector.extract_strided_slice %reduce_sum3A_2 {offsets = [0], sizes = [16], strides = [1]} : vector<384xf32> to vector<16xf32>
    %reduce_sum3A_14 = vector.shape_cast %slice3A_13 : vector<16xf32> to vector<1x16xf32>
    %reduce_sum3A_15 = arith.constant dense<0.000000e+00> : vector<1xf32>
    %reduce_sum3A_16 = vector.multi_reduction <add>, %reduce_sum3A_14, %reduce_sum3A_15 [1] : vector<1x16xf32> to vector<1xf32>
    %reduce_sum3A_17 = vector.shape_cast %reduce_sum3A_16 : vector<1xf32> to vector<1x1xf32>
    %reduce_sum3A_18 = vector.extract %reduce_sum3A_17[0, 0] : f32 from vector<1x1xf32>
    %add3A = arith.addf %reduce_sum3A_12, %reduce_sum3A_18 : f32
    %get3A_19 = arith.constant 1 : index
    %get3A_20 = arith.constant 0 : index
    %get3A_21 = arith.constant 0 : index
    %get3A_22 = vector.load %arg1[%get3A_19, %get3A_20, %get3A_21] : memref<19x8x128xf32, #tpu.memory_space<vmem>>, vector<1x8x128xf32>
    %get3A_23 = vector.shape_cast %get3A_22 : vector<1x8x128xf32> to vector<8x128xf32>
    %slice3A_24 = vector.extract_strided_slice %get3A_23 {offsets = [0, 0], sizes = [1, 128], strides = [1, 1]} : vector<8x128xf32> to vector<1x128xf32>
    %squeeze3A_25 = vector.shape_cast %slice3A_24 : vector<1x128xf32> to vector<128xf32>
    %reduce_sum3A_26 = vector.shape_cast %squeeze3A_25 : vector<128xf32> to vector<1x128xf32>
    %reduce_sum3A_27 = arith.constant dense<0.000000e+00> : vector<1xf32>
    %reduce_sum3A_28 = vector.multi_reduction <add>, %reduce_sum3A_26, %reduce_sum3A_27 [1] : vector<1x128xf32> to vector<1xf32>
    %reduce_sum3A_29 = vector.shape_cast %reduce_sum3A_28 : vector<1xf32> to vector<1x1xf32>
    %reduce_sum3A_30 = vector.extract %reduce_sum3A_29[0, 0] : f32 from vector<1x1xf32>
    %slice3A_31 = vector.extract_strided_slice %reduce_sum3A_2 {offsets = [16], sizes = [16], strides = [1]} : vector<384xf32> to vector<16xf32>
    %reduce_sum3A_32 = vector.shape_cast %slice3A_31 : vector<16xf32> to vector<1x16xf32>
    %reduce_sum3A_33 = arith.constant dense<0.000000e+00> : vector<1xf32>
    %reduce_sum3A_34 = vector.multi_reduction <add>, %reduce_sum3A_32, %reduce_sum3A_33 [1] : vector<1x16xf32> to vector<1xf32>
    %reduce_sum3A_35 = vector.shape_cast %reduce_sum3A_34 : vector<1xf32> to vector<1x1xf32>
    %reduce_sum3A_36 = vector.extract %reduce_sum3A_35[0, 0] : f32 from vector<1x1xf32>
    %add3A_37 = arith.addf %reduce_sum3A_30, %reduce_sum3A_36 : f32
    %get3A_38 = arith.constant 2 : index
    %get3A_39 = arith.constant 0 : index
    %get3A_40 = arith.constant 0 : index
    %get3A_41 = vector.load %arg1[%get3A_38, %get3A_39, %get3A_40] : memref<19x8x128xf32, #tpu.memory_space<vmem>>, vector<1x8x128xf32>
    %get3A_42 = vector.shape_cast %get3A_41 : vector<1x8x128xf32> to vector<8x128xf32>
    %slice3A_43 = vector.extract_strided_slice %get3A_42 {offsets = [0, 0], sizes = [1, 128], strides = [1, 1]} : vector<8x128xf32> to vector<1x128xf32>
    %squeeze3A_44 = vector.shape_cast %slice3A_43 : vector<1x128xf32> to vector<128xf32>
    %reduce_sum3A_45 = vector.shape_cast %squeeze3A_44 : vector<128xf32> to vector<1x128xf32>
    %reduce_sum3A_46 = arith.constant dense<0.000000e+00> : vector<1xf32>
    %reduce_sum3A_47 = vector.multi_reduction <add>, %reduce_sum3A_45, %reduce_sum3A_46 [1] : vector<1x128xf32> to vector<1xf32>
    %reduce_sum3A_48 = vector.shape_cast %reduce_sum3A_47 : vector<1xf32> to vector<1x1xf32>
    %reduce_sum3A_49 = vector.extract %reduce_sum3A_48[0, 0] : f32 from vector<1x1xf32>
    %slice3A_50 = vector.extract_strided_slice %reduce_sum3A_2 {offsets = [32], sizes = [16], strides = [1]} : vector<384xf32> to vector<16xf32>
    %reduce_sum3A_51 = vector.shape_cast %slice3A_50 : vector<16xf32> to vector<1x16xf32>
    %reduce_sum3A_52 = arith.constant dense<0.000000e+00> : vector<1xf32>
    %reduce_sum3A_53 = vector.multi_reduction <add>, %reduce_sum3A_51, %reduce_sum3A_52 [1] : vector<1x16xf32> to vector<1xf32>
    %reduce_sum3A_54 = vector.shape_cast %reduce_sum3A_53 : vector<1xf32> to vector<1x1xf32>
    %reduce_sum3A_55 = vector.extract %reduce_sum3A_54[0, 0] : f32 from vector<1x1xf32>
    %add3A_56 = arith.addf %reduce_sum3A_49, %reduce_sum3A_55 : f32
    %get3A_57 = arith.constant 3 : index
    %get3A_58 = arith.constant 0 : index
    %get3A_59 = arith.constant 0 : index
    %get3A_60 = vector.load %arg1[%get3A_57, %get3A_58, %get3A_59] : memref<19x8x128xf32, #tpu.memory_space<vmem>>, vector<1x8x128xf32>
    %get3A_61 = vector.shape_cast %get3A_60 : vector<1x8x128xf32> to vector<8x128xf32>
    %slice3A_62 = vector.extract_strided_slice %get3A_61 {offsets = [0, 0], sizes = [1, 128], strides = [1, 1]} : vector<8x128xf32> to vector<1x128xf32>
    %squeeze3A_63 = vector.shape_cast %slice3A_62 : vector<1x128xf32> to vector<128xf32>
    %reduce_sum3A_64 = vector.shape_cast %squeeze3A_63 : vector<128xf32> to vector<1x128xf32>
    %reduce_sum3A_65 = arith.constant dense<0.000000e+00> : vector<1xf32>
    %reduce_sum3A_66 = vector.multi_reduction <add>, %reduce_sum3A_64, %reduce_sum3A_65 [1] : vector<1x128xf32> to vector<1xf32>
    %reduce_sum3A_67 = vector.shape_cast %reduce_sum3A_66 : vector<1xf32> to vector<1x1xf32>
    %reduce_sum3A_68 = vector.extract %reduce_sum3A_67[0, 0] : f32 from vector<1x1xf32>
    %slice3A_69 = vector.extract_strided_slice %reduce_sum3A_2 {offsets = [48], sizes = [16], strides = [1]} : vector<384xf32> to vector<16xf32>
    %reduce_sum3A_70 = vector.shape_cast %slice3A_69 : vector<16xf32> to vector<1x16xf32>
    %reduce_sum3A_71 = arith.constant dense<0.000000e+00> : vector<1xf32>
    %reduce_sum3A_72 = vector.multi_reduction <add>, %reduce_sum3A_70, %reduce_sum3A_71 [1] : vector<1x16xf32> to vector<1xf32>
    %reduce_sum3A_73 = vector.shape_cast %reduce_sum3A_72 : vector<1xf32> to vector<1x1xf32>
    %reduce_sum3A_74 = vector.extract %reduce_sum3A_73[0, 0] : f32 from vector<1x1xf32>
    %add3A_75 = arith.addf %reduce_sum3A_68, %reduce_sum3A_74 : f32
    %get3A_76 = arith.constant 4 : index
    %get3A_77 = arith.constant 0 : index
    %get3A_78 = arith.constant 0 : index
    %get3A_79 = vector.load %arg1[%get3A_76, %get3A_77, %get3A_78] : memref<19x8x128xf32, #tpu.memory_space<vmem>>, vector<1x8x128xf32>
    %get3A_80 = vector.shape_cast %get3A_79 : vector<1x8x128xf32> to vector<8x128xf32>
    %slice3A_81 = vector.extract_strided_slice %get3A_80 {offsets = [0, 0], sizes = [1, 128], strides = [1, 1]} : vector<8x128xf32> to vector<1x128xf32>
    %squeeze3A_82 = vector.shape_cast %slice3A_81 : vector<1x128xf32> to vector<128xf32>
    %reduce_sum3A_83 = vector.shape_cast %squeeze3A_82 : vector<128xf32> to vector<1x128xf32>
    %reduce_sum3A_84 = arith.constant dense<0.000000e+00> : vector<1xf32>
    %reduce_sum3A_85 = vector.multi_reduction <add>, %reduce_sum3A_83, %reduce_sum3A_84 [1] : vector<1x128xf32> to vector<1xf32>
    %reduce_sum3A_86 = vector.shape_cast %reduce_sum3A_85 : vector<1xf32> to vector<1x1xf32>
    %reduce_sum3A_87 = vector.extract %reduce_sum3A_86[0, 0] : f32 from vector<1x1xf32>
    %slice3A_88 = vector.extract_strided_slice %reduce_sum3A_2 {offsets = [64], sizes = [16], strides = [1]} : vector<384xf32> to vector<16xf32>
    %reduce_sum3A_89 = vector.shape_cast %slice3A_88 : vector<16xf32> to vector<1x16xf32>
    %reduce_sum3A_90 = arith.constant dense<0.000000e+00> : vector<1xf32>
    %reduce_sum3A_91 = vector.multi_reduction <add>, %reduce_sum3A_89, %reduce_sum3A_90 [1] : vector<1x16xf32> to vector<1xf32>
    %reduce_sum3A_92 = vector.shape_cast %reduce_sum3A_91 : vector<1xf32> to vector<1x1xf32>
    %reduce_sum3A_93 = vector.extract %reduce_sum3A_92[0, 0] : f32 from vector<1x1xf32>
    %add3A_94 = arith.addf %reduce_sum3A_87, %reduce_sum3A_93 : f32
    %get3A_95 = arith.constant 5 : index
    %get3A_96 = arith.constant 0 : index
    %get3A_97 = arith.constant 0 : index
    %get3A_98 = vector.load %arg1[%get3A_95, %get3A_96, %get3A_97] : memref<19x8x128xf32, #tpu.memory_space<vmem>>, vector<1x8x128xf32>
    %get3A_99 = vector.shape_cast %get3A_98 : vector<1x8x128xf32> to vector<8x128xf32>
    %slice3A_100 = vector.extract_strided_slice %get3A_99 {offsets = [0, 0], sizes = [1, 128], strides = [1, 1]} : vector<8x128xf32> to vector<1x128xf32>
    %squeeze3A_101 = vector.shape_cast %slice3A_100 : vector<1x128xf32> to vector<128xf32>
    %reduce_sum3A_102 = vector.shape_cast %squeeze3A_101 : vector<128xf32> to vector<1x128xf32>
    %reduce_sum3A_103 = arith.constant dense<0.000000e+00> : vector<1xf32>
    %reduce_sum3A_104 = vector.multi_reduction <add>, %reduce_sum3A_102, %reduce_sum3A_103 [1] : vector<1x128xf32> to vector<1xf32>
    %reduce_sum3A_105 = vector.shape_cast %reduce_sum3A_104 : vector<1xf32> to vector<1x1xf32>
    %reduce_sum3A_106 = vector.extract %reduce_sum3A_105[0, 0] : f32 from vector<1x1xf32>
    %slice3A_107 = vector.extract_strided_slice %reduce_sum3A_2 {offsets = [80], sizes = [16], strides = [1]} : vector<384xf32> to vector<16xf32>
    %reduce_sum3A_108 = vector.shape_cast %slice3A_107 : vector<16xf32> to vector<1x16xf32>
    %reduce_sum3A_109 = arith.constant dense<0.000000e+00> : vector<1xf32>
    %reduce_sum3A_110 = vector.multi_reduction <add>, %reduce_sum3A_108, %reduce_sum3A_109 [1] : vector<1x16xf32> to vector<1xf32>
    %reduce_sum3A_111 = vector.shape_cast %reduce_sum3A_110 : vector<1xf32> to vector<1x1xf32>
    %reduce_sum3A_112 = vector.extract %reduce_sum3A_111[0, 0] : f32 from vector<1x1xf32>
    %add3A_113 = arith.addf %reduce_sum3A_106, %reduce_sum3A_112 : f32
    %get3A_114 = arith.constant 6 : index
    %get3A_115 = arith.constant 0 : index
    %get3A_116 = arith.constant 0 : index
    %get3A_117 = vector.load %arg1[%get3A_114, %get3A_115, %get3A_116] : memref<19x8x128xf32, #tpu.memory_space<vmem>>, vector<1x8x128xf32>
    %get3A_118 = vector.shape_cast %get3A_117 : vector<1x8x128xf32> to vector<8x128xf32>
    %slice3A_119 = vector.extract_strided_slice %get3A_118 {offsets = [0, 0], sizes = [1, 128], strides = [1, 1]} : vector<8x128xf32> to vector<1x128xf32>
    %squeeze3A_120 = vector.shape_cast %slice3A_119 : vector<1x128xf32> to vector<128xf32>
    %reduce_sum3A_121 = vector.shape_cast %squeeze3A_120 : vector<128xf32> to vector<1x128xf32>
    %reduce_sum3A_122 = arith.constant dense<0.000000e+00> : vector<1xf32>
    %reduce_sum3A_123 = vector.multi_reduction <add>, %reduce_sum3A_121, %reduce_sum3A_122 [1] : vector<1x128xf32> to vector<1xf32>
    %reduce_sum3A_124 = vector.shape_cast %reduce_sum3A_123 : vector<1xf32> to vector<1x1xf32>
    %reduce_sum3A_125 = vector.extract %reduce_sum3A_124[0, 0] : f32 from vector<1x1xf32>
    %slice3A_126 = vector.extract_strided_slice %reduce_sum3A_2 {offsets = [96], sizes = [16], strides = [1]} : vector<384xf32> to vector<16xf32>
    %reduce_sum3A_127 = vector.shape_cast %slice3A_126 : vector<16xf32> to vector<1x16xf32>
    %reduce_sum3A_128 = arith.constant dense<0.000000e+00> : vector<1xf32>
    %reduce_sum3A_129 = vector.multi_reduction <add>, %reduce_sum3A_127, %reduce_sum3A_128 [1] : vector<1x16xf32> to vector<1xf32>
    %reduce_sum3A_130 = vector.shape_cast %reduce_sum3A_129 : vector<1xf32> to vector<1x1xf32>
    %reduce_sum3A_131 = vector.extract %reduce_sum3A_130[0, 0] : f32 from vector<1x1xf32>
    %add3A_132 = arith.addf %reduce_sum3A_125, %reduce_sum3A_131 : f32
    %get3A_133 = arith.constant 7 : index
    %get3A_134 = arith.constant 0 : index
    %get3A_135 = arith.constant 0 : index
    %get3A_136 = vector.load %arg1[%get3A_133, %get3A_134, %get3A_135] : memref<19x8x128xf32, #tpu.memory_space<vmem>>, vector<1x8x128xf32>
    %get3A_137 = vector.shape_cast %get3A_136 : vector<1x8x128xf32> to vector<8x128xf32>
    %slice3A_138 = vector.extract_strided_slice %get3A_137 {offsets = [0, 0], sizes = [1, 128], strides = [1, 1]} : vector<8x128xf32> to vector<1x128xf32>
    %squeeze3A_139 = vector.shape_cast %slice3A_138 : vector<1x128xf32> to vector<128xf32>
    %reduce_sum3A_140 = vector.shape_cast %squeeze3A_139 : vector<128xf32> to vector<1x128xf32>
    %reduce_sum3A_141 = arith.constant dense<0.000000e+00> : vector<1xf32>
    %reduce_sum3A_142 = vector.multi_reduction <add>, %reduce_sum3A_140, %reduce_sum3A_141 [1] : vector<1x128xf32> to vector<1xf32>
    %reduce_sum3A_143 = vector.shape_cast %reduce_sum3A_142 : vector<1xf32> to vector<1x1xf32>
    %reduce_sum3A_144 = vector.extract %reduce_sum3A_143[0, 0] : f32 from vector<1x1xf32>
    %slice3A_145 = vector.extract_strided_slice %reduce_sum3A_2 {offsets = [112], sizes = [16], strides = [1]} : vector<384xf32> to vector<16xf32>
    %reduce_sum3A_146 = vector.shape_cast %slice3A_145 : vector<16xf32> to vector<1x16xf32>
    %reduce_sum3A_147 = arith.constant dense<0.000000e+00> : vector<1xf32>
    %reduce_sum3A_148 = vector.multi_reduction <add>, %reduce_sum3A_146, %reduce_sum3A_147 [1] : vector<1x16xf32> to vector<1xf32>
    %reduce_sum3A_149 = vector.shape_cast %reduce_sum3A_148 : vector<1xf32> to vector<1x1xf32>
    %reduce_sum3A_150 = vector.extract %reduce_sum3A_149[0, 0] : f32 from vector<1x1xf32>
    %add3A_151 = arith.addf %reduce_sum3A_144, %reduce_sum3A_150 : f32
    %get3A_152 = arith.constant 8 : index
    %get3A_153 = arith.constant 0 : index
    %get3A_154 = arith.constant 0 : index
    %get3A_155 = vector.load %arg1[%get3A_152, %get3A_153, %get3A_154] : memref<19x8x128xf32, #tpu.memory_space<vmem>>, vector<1x8x128xf32>
    %get3A_156 = vector.shape_cast %get3A_155 : vector<1x8x128xf32> to vector<8x128xf32>
    %slice3A_157 = vector.extract_strided_slice %get3A_156 {offsets = [0, 0], sizes = [1, 128], strides = [1, 1]} : vector<8x128xf32> to vector<1x128xf32>
    %squeeze3A_158 = vector.shape_cast %slice3A_157 : vector<1x128xf32> to vector<128xf32>
    %reduce_sum3A_159 = vector.shape_cast %squeeze3A_158 : vector<128xf32> to vector<1x128xf32>
    %reduce_sum3A_160 = arith.constant dense<0.000000e+00> : vector<1xf32>
    %reduce_sum3A_161 = vector.multi_reduction <add>, %reduce_sum3A_159, %reduce_sum3A_160 [1] : vector<1x128xf32> to vector<1xf32>
    %reduce_sum3A_162 = vector.shape_cast %reduce_sum3A_161 : vector<1xf32> to vector<1x1xf32>
    %reduce_sum3A_163 = vector.extract %reduce_sum3A_162[0, 0] : f32 from vector<1x1xf32>
    %slice3A_164 = vector.extract_strided_slice %reduce_sum3A_2 {offsets = [128], sizes = [16], strides = [1]} : vector<384xf32> to vector<16xf32>
    %reduce_sum3A_165 = vector.shape_cast %slice3A_164 : vector<16xf32> to vector<1x16xf32>
    %reduce_sum3A_166 = arith.constant dense<0.000000e+00> : vector<1xf32>
    %reduce_sum3A_167 = vector.multi_reduction <add>, %reduce_sum3A_165, %reduce_sum3A_166 [1] : vector<1x16xf32> to vector<1xf32>
    %reduce_sum3A_168 = vector.shape_cast %reduce_sum3A_167 : vector<1xf32> to vector<1x1xf32>
    %reduce_sum3A_169 = vector.extract %reduce_sum3A_168[0, 0] : f32 from vector<1x1xf32>
    %add3A_170 = arith.addf %reduce_sum3A_163, %reduce_sum3A_169 : f32
    %get3A_171 = arith.constant 9 : index
    %get3A_172 = arith.constant 0 : index
    %get3A_173 = arith.constant 0 : index
    %get3A_174 = vector.load %arg1[%get3A_171, %get3A_172, %get3A_173] : memref<19x8x128xf32, #tpu.memory_space<vmem>>, vector<1x8x128xf32>
    %get3A_175 = vector.shape_cast %get3A_174 : vector<1x8x128xf32> to vector<8x128xf32>
    %slice3A_176 = vector.extract_strided_slice %get3A_175 {offsets = [0, 0], sizes = [1, 128], strides = [1, 1]} : vector<8x128xf32> to vector<1x128xf32>
    %squeeze3A_177 = vector.shape_cast %slice3A_176 : vector<1x128xf32> to vector<128xf32>
    %reduce_sum3A_178 = vector.shape_cast %squeeze3A_177 : vector<128xf32> to vector<1x128xf32>
    %reduce_sum3A_179 = arith.constant dense<0.000000e+00> : vector<1xf32>
    %reduce_sum3A_180 = vector.multi_reduction <add>, %reduce_sum3A_178, %reduce_sum3A_179 [1] : vector<1x128xf32> to vector<1xf32>
    %reduce_sum3A_181 = vector.shape_cast %reduce_sum3A_180 : vector<1xf32> to vector<1x1xf32>
    %reduce_sum3A_182 = vector.extract %reduce_sum3A_181[0, 0] : f32 from vector<1x1xf32>
    %slice3A_183 = vector.extract_strided_slice %reduce_sum3A_2 {offsets = [144], sizes = [16], strides = [1]} : vector<384xf32> to vector<16xf32>
    %reduce_sum3A_184 = vector.shape_cast %slice3A_183 : vector<16xf32> to vector<1x16xf32>
    %reduce_sum3A_185 = arith.constant dense<0.000000e+00> : vector<1xf32>
    %reduce_sum3A_186 = vector.multi_reduction <add>, %reduce_sum3A_184, %reduce_sum3A_185 [1] : vector<1x16xf32> to vector<1xf32>
    %reduce_sum3A_187 = vector.shape_cast %reduce_sum3A_186 : vector<1xf32> to vector<1x1xf32>
    %reduce_sum3A_188 = vector.extract %reduce_sum3A_187[0, 0] : f32 from vector<1x1xf32>
    %add3A_189 = arith.addf %reduce_sum3A_182, %reduce_sum3A_188 : f32
    %get3A_190 = arith.constant 10 : index
    %get3A_191 = arith.constant 0 : index
    %get3A_192 = arith.constant 0 : index
    %get3A_193 = vector.load %arg1[%get3A_190, %get3A_191, %get3A_192] : memref<19x8x128xf32, #tpu.memory_space<vmem>>, vector<1x8x128xf32>
    %get3A_194 = vector.shape_cast %get3A_193 : vector<1x8x128xf32> to vector<8x128xf32>
    %slice3A_195 = vector.extract_strided_slice %get3A_194 {offsets = [0, 0], sizes = [1, 128], strides = [1, 1]} : vector<8x128xf32> to vector<1x128xf32>
    %squeeze3A_196 = vector.shape_cast %slice3A_195 : vector<1x128xf32> to vector<128xf32>
    %reduce_sum3A_197 = vector.shape_cast %squeeze3A_196 : vector<128xf32> to vector<1x128xf32>
    %reduce_sum3A_198 = arith.constant dense<0.000000e+00> : vector<1xf32>
    %reduce_sum3A_199 = vector.multi_reduction <add>, %reduce_sum3A_197, %reduce_sum3A_198 [1] : vector<1x128xf32> to vector<1xf32>
    %reduce_sum3A_200 = vector.shape_cast %reduce_sum3A_199 : vector<1xf32> to vector<1x1xf32>
    %reduce_sum3A_201 = vector.extract %reduce_sum3A_200[0, 0] : f32 from vector<1x1xf32>
    %slice3A_202 = vector.extract_strided_slice %reduce_sum3A_2 {offsets = [160], sizes = [16], strides = [1]} : vector<384xf32> to vector<16xf32>
    %reduce_sum3A_203 = vector.shape_cast %slice3A_202 : vector<16xf32> to vector<1x16xf32>
    %reduce_sum3A_204 = arith.constant dense<0.000000e+00> : vector<1xf32>
    %reduce_sum3A_205 = vector.multi_reduction <add>, %reduce_sum3A_203, %reduce_sum3A_204 [1] : vector<1x16xf32> to vector<1xf32>
    %reduce_sum3A_206 = vector.shape_cast %reduce_sum3A_205 : vector<1xf32> to vector<1x1xf32>
    %reduce_sum3A_207 = vector.extract %reduce_sum3A_206[0, 0] : f32 from vector<1x1xf32>
    %add3A_208 = arith.addf %reduce_sum3A_201, %reduce_sum3A_207 : f32
    %get3A_209 = arith.constant 11 : index
    %get3A_210 = arith.constant 0 : index
    %get3A_211 = arith.constant 0 : index
    %get3A_212 = vector.load %arg1[%get3A_209, %get3A_210, %get3A_211] : memref<19x8x128xf32, #tpu.memory_space<vmem>>, vector<1x8x128xf32>
    %get3A_213 = vector.shape_cast %get3A_212 : vector<1x8x128xf32> to vector<8x128xf32>
    %slice3A_214 = vector.extract_strided_slice %get3A_213 {offsets = [0, 0], sizes = [1, 128], strides = [1, 1]} : vector<8x128xf32> to vector<1x128xf32>
    %squeeze3A_215 = vector.shape_cast %slice3A_214 : vector<1x128xf32> to vector<128xf32>
    %reduce_sum3A_216 = vector.shape_cast %squeeze3A_215 : vector<128xf32> to vector<1x128xf32>
    %reduce_sum3A_217 = arith.constant dense<0.000000e+00> : vector<1xf32>
    %reduce_sum3A_218 = vector.multi_reduction <add>, %reduce_sum3A_216, %reduce_sum3A_217 [1] : vector<1x128xf32> to vector<1xf32>
    %reduce_sum3A_219 = vector.shape_cast %reduce_sum3A_218 : vector<1xf32> to vector<1x1xf32>
    %reduce_sum3A_220 = vector.extract %reduce_sum3A_219[0, 0] : f32 from vector<1x1xf32>
    %slice3A_221 = vector.extract_strided_slice %reduce_sum3A_2 {offsets = [176], sizes = [16], strides = [1]} : vector<384xf32> to vector<16xf32>
    %reduce_sum3A_222 = vector.shape_cast %slice3A_221 : vector<16xf32> to vector<1x16xf32>
    %reduce_sum3A_223 = arith.constant dense<0.000000e+00> : vector<1xf32>
    %reduce_sum3A_224 = vector.multi_reduction <add>, %reduce_sum3A_222, %reduce_sum3A_223 [1] : vector<1x16xf32> to vector<1xf32>
    %reduce_sum3A_225 = vector.shape_cast %reduce_sum3A_224 : vector<1xf32> to vector<1x1xf32>
    %reduce_sum3A_226 = vector.extract %reduce_sum3A_225[0, 0] : f32 from vector<1x1xf32>
    %add3A_227 = arith.addf %reduce_sum3A_220, %reduce_sum3A_226 : f32
    %get3A_228 = arith.constant 12 : index
    %get3A_229 = arith.constant 0 : index
    %get3A_230 = arith.constant 0 : index
    %get3A_231 = vector.load %arg1[%get3A_228, %get3A_229, %get3A_230] : memref<19x8x128xf32, #tpu.memory_space<vmem>>, vector<1x8x128xf32>
    %get3A_232 = vector.shape_cast %get3A_231 : vector<1x8x128xf32> to vector<8x128xf32>
    %slice3A_233 = vector.extract_strided_slice %get3A_232 {offsets = [0, 0], sizes = [1, 128], strides = [1, 1]} : vector<8x128xf32> to vector<1x128xf32>
    %squeeze3A_234 = vector.shape_cast %slice3A_233 : vector<1x128xf32> to vector<128xf32>
    %reduce_sum3A_235 = vector.shape_cast %squeeze3A_234 : vector<128xf32> to vector<1x128xf32>
    %reduce_sum3A_236 = arith.constant dense<0.000000e+00> : vector<1xf32>
    %reduce_sum3A_237 = vector.multi_reduction <add>, %reduce_sum3A_235, %reduce_sum3A_236 [1] : vector<1x128xf32> to vector<1xf32>
    %reduce_sum3A_238 = vector.shape_cast %reduce_sum3A_237 : vector<1xf32> to vector<1x1xf32>
    %reduce_sum3A_239 = vector.extract %reduce_sum3A_238[0, 0] : f32 from vector<1x1xf32>
    %slice3A_240 = vector.extract_strided_slice %reduce_sum3A_2 {offsets = [192], sizes = [16], strides = [1]} : vector<384xf32> to vector<16xf32>
    %reduce_sum3A_241 = vector.shape_cast %slice3A_240 : vector<16xf32> to vector<1x16xf32>
    %reduce_sum3A_242 = arith.constant dense<0.000000e+00> : vector<1xf32>
    %reduce_sum3A_243 = vector.multi_reduction <add>, %reduce_sum3A_241, %reduce_sum3A_242 [1] : vector<1x16xf32> to vector<1xf32>
    %reduce_sum3A_244 = vector.shape_cast %reduce_sum3A_243 : vector<1xf32> to vector<1x1xf32>
    %reduce_sum3A_245 = vector.extract %reduce_sum3A_244[0, 0] : f32 from vector<1x1xf32>
    %add3A_246 = arith.addf %reduce_sum3A_239, %reduce_sum3A_245 : f32
    %get3A_247 = arith.constant 13 : index
    %get3A_248 = arith.constant 0 : index
    %get3A_249 = arith.constant 0 : index
    %get3A_250 = vector.load %arg1[%get3A_247, %get3A_248, %get3A_249] : memref<19x8x128xf32, #tpu.memory_space<vmem>>, vector<1x8x128xf32>
    %get3A_251 = vector.shape_cast %get3A_250 : vector<1x8x128xf32> to vector<8x128xf32>
    %slice3A_252 = vector.extract_strided_slice %get3A_251 {offsets = [0, 0], sizes = [1, 128], strides = [1, 1]} : vector<8x128xf32> to vector<1x128xf32>
    %squeeze3A_253 = vector.shape_cast %slice3A_252 : vector<1x128xf32> to vector<128xf32>
    %reduce_sum3A_254 = vector.shape_cast %squeeze3A_253 : vector<128xf32> to vector<1x128xf32>
    %reduce_sum3A_255 = arith.constant dense<0.000000e+00> : vector<1xf32>
    %reduce_sum3A_256 = vector.multi_reduction <add>, %reduce_sum3A_254, %reduce_sum3A_255 [1] : vector<1x128xf32> to vector<1xf32>
    %reduce_sum3A_257 = vector.shape_cast %reduce_sum3A_256 : vector<1xf32> to vector<1x1xf32>
    %reduce_sum3A_258 = vector.extract %reduce_sum3A_257[0, 0] : f32 from vector<1x1xf32>
    %slice3A_259 = vector.extract_strided_slice %reduce_sum3A_2 {offsets = [208], sizes = [16], strides = [1]} : vector<384xf32> to vector<16xf32>
    %reduce_sum3A_260 = vector.shape_cast %slice3A_259 : vector<16xf32> to vector<1x16xf32>
    %reduce_sum3A_261 = arith.constant dense<0.000000e+00> : vector<1xf32>
    %reduce_sum3A_262 = vector.multi_reduction <add>, %reduce_sum3A_260, %reduce_sum3A_261 [1] : vector<1x16xf32> to vector<1xf32>
    %reduce_sum3A_263 = vector.shape_cast %reduce_sum3A_262 : vector<1xf32> to vector<1x1xf32>
    %reduce_sum3A_264 = vector.extract %reduce_sum3A_263[0, 0] : f32 from vector<1x1xf32>
    %add3A_265 = arith.addf %reduce_sum3A_258, %reduce_sum3A_264 : f32
    %get3A_266 = arith.constant 14 : index
    %get3A_267 = arith.constant 0 : index
    %get3A_268 = arith.constant 0 : index
    %get3A_269 = vector.load %arg1[%get3A_266, %get3A_267, %get3A_268] : memref<19x8x128xf32, #tpu.memory_space<vmem>>, vector<1x8x128xf32>
    %get3A_270 = vector.shape_cast %get3A_269 : vector<1x8x128xf32> to vector<8x128xf32>
    %slice3A_271 = vector.extract_strided_slice %get3A_270 {offsets = [0, 0], sizes = [1, 128], strides = [1, 1]} : vector<8x128xf32> to vector<1x128xf32>
    %squeeze3A_272 = vector.shape_cast %slice3A_271 : vector<1x128xf32> to vector<128xf32>
    %reduce_sum3A_273 = vector.shape_cast %squeeze3A_272 : vector<128xf32> to vector<1x128xf32>
    %reduce_sum3A_274 = arith.constant dense<0.000000e+00> : vector<1xf32>
    %reduce_sum3A_275 = vector.multi_reduction <add>, %reduce_sum3A_273, %reduce_sum3A_274 [1] : vector<1x128xf32> to vector<1xf32>
    %reduce_sum3A_276 = vector.shape_cast %reduce_sum3A_275 : vector<1xf32> to vector<1x1xf32>
    %reduce_sum3A_277 = vector.extract %reduce_sum3A_276[0, 0] : f32 from vector<1x1xf32>
    %slice3A_278 = vector.extract_strided_slice %reduce_sum3A_2 {offsets = [224], sizes = [16], strides = [1]} : vector<384xf32> to vector<16xf32>
    %reduce_sum3A_279 = vector.shape_cast %slice3A_278 : vector<16xf32> to vector<1x16xf32>
    %reduce_sum3A_280 = arith.constant dense<0.000000e+00> : vector<1xf32>
    %reduce_sum3A_281 = vector.multi_reduction <add>, %reduce_sum3A_279, %reduce_sum3A_280 [1] : vector<1x16xf32> to vector<1xf32>
    %reduce_sum3A_282 = vector.shape_cast %reduce_sum3A_281 : vector<1xf32> to vector<1x1xf32>
    %reduce_sum3A_283 = vector.extract %reduce_sum3A_282[0, 0] : f32 from vector<1x1xf32>
    %add3A_284 = arith.addf %reduce_sum3A_277, %reduce_sum3A_283 : f32
    %get3A_285 = arith.constant 15 : index
    %get3A_286 = arith.constant 0 : index
    %get3A_287 = arith.constant 0 : index
    %get3A_288 = vector.load %arg1[%get3A_285, %get3A_286, %get3A_287] : memref<19x8x128xf32, #tpu.memory_space<vmem>>, vector<1x8x128xf32>
    %get3A_289 = vector.shape_cast %get3A_288 : vector<1x8x128xf32> to vector<8x128xf32>
    %slice3A_290 = vector.extract_strided_slice %get3A_289 {offsets = [0, 0], sizes = [1, 128], strides = [1, 1]} : vector<8x128xf32> to vector<1x128xf32>
    %squeeze3A_291 = vector.shape_cast %slice3A_290 : vector<1x128xf32> to vector<128xf32>
    %reduce_sum3A_292 = vector.shape_cast %squeeze3A_291 : vector<128xf32> to vector<1x128xf32>
    %reduce_sum3A_293 = arith.constant dense<0.000000e+00> : vector<1xf32>
    %reduce_sum3A_294 = vector.multi_reduction <add>, %reduce_sum3A_292, %reduce_sum3A_293 [1] : vector<1x128xf32> to vector<1xf32>
    %reduce_sum3A_295 = vector.shape_cast %reduce_sum3A_294 : vector<1xf32> to vector<1x1xf32>
    %reduce_sum3A_296 = vector.extract %reduce_sum3A_295[0, 0] : f32 from vector<1x1xf32>
    %slice3A_297 = vector.extract_strided_slice %reduce_sum3A_2 {offsets = [240], sizes = [16], strides = [1]} : vector<384xf32> to vector<16xf32>
    %reduce_sum3A_298 = vector.shape_cast %slice3A_297 : vector<16xf32> to vector<1x16xf32>
    %reduce_sum3A_299 = arith.constant dense<0.000000e+00> : vector<1xf32>
    %reduce_sum3A_300 = vector.multi_reduction <add>, %reduce_sum3A_298, %reduce_sum3A_299 [1] : vector<1x16xf32> to vector<1xf32>
    %reduce_sum3A_301 = vector.shape_cast %reduce_sum3A_300 : vector<1xf32> to vector<1x1xf32>
    %reduce_sum3A_302 = vector.extract %reduce_sum3A_301[0, 0] : f32 from vector<1x1xf32>
    %add3A_303 = arith.addf %reduce_sum3A_296, %reduce_sum3A_302 : f32
    %get3A_304 = arith.constant 16 : index
    %get3A_305 = arith.constant 0 : index
    %get3A_306 = arith.constant 0 : index
    %get3A_307 = vector.load %arg1[%get3A_304, %get3A_305, %get3A_306] : memref<19x8x128xf32, #tpu.memory_space<vmem>>, vector<1x8x128xf32>
    %get3A_308 = vector.shape_cast %get3A_307 : vector<1x8x128xf32> to vector<8x128xf32>
    %slice3A_309 = vector.extract_strided_slice %get3A_308 {offsets = [0, 0], sizes = [1, 128], strides = [1, 1]} : vector<8x128xf32> to vector<1x128xf32>
    %squeeze3A_310 = vector.shape_cast %slice3A_309 : vector<1x128xf32> to vector<128xf32>
    %reduce_sum3A_311 = vector.shape_cast %squeeze3A_310 : vector<128xf32> to vector<1x128xf32>
    %reduce_sum3A_312 = arith.constant dense<0.000000e+00> : vector<1xf32>
    %reduce_sum3A_313 = vector.multi_reduction <add>, %reduce_sum3A_311, %reduce_sum3A_312 [1] : vector<1x128xf32> to vector<1xf32>
    %reduce_sum3A_314 = vector.shape_cast %reduce_sum3A_313 : vector<1xf32> to vector<1x1xf32>
    %reduce_sum3A_315 = vector.extract %reduce_sum3A_314[0, 0] : f32 from vector<1x1xf32>
    %slice3A_316 = vector.extract_strided_slice %reduce_sum3A_2 {offsets = [256], sizes = [16], strides = [1]} : vector<384xf32> to vector<16xf32>
    %reduce_sum3A_317 = vector.shape_cast %slice3A_316 : vector<16xf32> to vector<1x16xf32>
    %reduce_sum3A_318 = arith.constant dense<0.000000e+00> : vector<1xf32>
    %reduce_sum3A_319 = vector.multi_reduction <add>, %reduce_sum3A_317, %reduce_sum3A_318 [1] : vector<1x16xf32> to vector<1xf32>
    %reduce_sum3A_320 = vector.shape_cast %reduce_sum3A_319 : vector<1xf32> to vector<1x1xf32>
    %reduce_sum3A_321 = vector.extract %reduce_sum3A_320[0, 0] : f32 from vector<1x1xf32>
    %add3A_322 = arith.addf %reduce_sum3A_315, %reduce_sum3A_321 : f32
    %get3A_323 = arith.constant 17 : index
    %get3A_324 = arith.constant 0 : index
    %get3A_325 = arith.constant 0 : index
    %get3A_326 = vector.load %arg1[%get3A_323, %get3A_324, %get3A_325] : memref<19x8x128xf32, #tpu.memory_space<vmem>>, vector<1x8x128xf32>
    %get3A_327 = vector.shape_cast %get3A_326 : vector<1x8x128xf32> to vector<8x128xf32>
    %slice3A_328 = vector.extract_strided_slice %get3A_327 {offsets = [0, 0], sizes = [1, 128], strides = [1, 1]} : vector<8x128xf32> to vector<1x128xf32>
    %squeeze3A_329 = vector.shape_cast %slice3A_328 : vector<1x128xf32> to vector<128xf32>
    %reduce_sum3A_330 = vector.shape_cast %squeeze3A_329 : vector<128xf32> to vector<1x128xf32>
    %reduce_sum3A_331 = arith.constant dense<0.000000e+00> : vector<1xf32>
    %reduce_sum3A_332 = vector.multi_reduction <add>, %reduce_sum3A_330, %reduce_sum3A_331 [1] : vector<1x128xf32> to vector<1xf32>
    %reduce_sum3A_333 = vector.shape_cast %reduce_sum3A_332 : vector<1xf32> to vector<1x1xf32>
    %reduce_sum3A_334 = vector.extract %reduce_sum3A_333[0, 0] : f32 from vector<1x1xf32>
    %slice3A_335 = vector.extract_strided_slice %reduce_sum3A_2 {offsets = [272], sizes = [16], strides = [1]} : vector<384xf32> to vector<16xf32>
    %reduce_sum3A_336 = vector.shape_cast %slice3A_335 : vector<16xf32> to vector<1x16xf32>
    %reduce_sum3A_337 = arith.constant dense<0.000000e+00> : vector<1xf32>
    %reduce_sum3A_338 = vector.multi_reduction <add>, %reduce_sum3A_336, %reduce_sum3A_337 [1] : vector<1x16xf32> to vector<1xf32>
    %reduce_sum3A_339 = vector.shape_cast %reduce_sum3A_338 : vector<1xf32> to vector<1x1xf32>
    %reduce_sum3A_340 = vector.extract %reduce_sum3A_339[0, 0] : f32 from vector<1x1xf32>
    %add3A_341 = arith.addf %reduce_sum3A_334, %reduce_sum3A_340 : f32
    %get3A_342 = arith.constant 18 : index
    %get3A_343 = arith.constant 0 : index
    %get3A_344 = arith.constant 0 : index
    %get3A_345 = vector.load %arg1[%get3A_342, %get3A_343, %get3A_344] : memref<19x8x128xf32, #tpu.memory_space<vmem>>, vector<1x8x128xf32>
    %get3A_346 = vector.shape_cast %get3A_345 : vector<1x8x128xf32> to vector<8x128xf32>
    %slice3A_347 = vector.extract_strided_slice %get3A_346 {offsets = [0, 0], sizes = [1, 128], strides = [1, 1]} : vector<8x128xf32> to vector<1x128xf32>
    %squeeze3A_348 = vector.shape_cast %slice3A_347 : vector<1x128xf32> to vector<128xf32>
    %reduce_sum3A_349 = vector.shape_cast %squeeze3A_348 : vector<128xf32> to vector<1x128xf32>
    %reduce_sum3A_350 = arith.constant dense<0.000000e+00> : vector<1xf32>
    %reduce_sum3A_351 = vector.multi_reduction <add>, %reduce_sum3A_349, %reduce_sum3A_350 [1] : vector<1x128xf32> to vector<1xf32>
    %reduce_sum3A_352 = vector.shape_cast %reduce_sum3A_351 : vector<1xf32> to vector<1x1xf32>
    %reduce_sum3A_353 = vector.extract %reduce_sum3A_352[0, 0] : f32 from vector<1x1xf32>
    %slice3A_354 = vector.extract_strided_slice %reduce_sum3A_2 {offsets = [288], sizes = [16], strides = [1]} : vector<384xf32> to vector<16xf32>
    %reduce_sum3A_355 = vector.shape_cast %slice3A_354 : vector<16xf32> to vector<1x16xf32>
    %reduce_sum3A_356 = arith.constant dense<0.000000e+00> : vector<1xf32>
    %reduce_sum3A_357 = vector.multi_reduction <add>, %reduce_sum3A_355, %reduce_sum3A_356 [1] : vector<1x16xf32> to vector<1xf32>
    %reduce_sum3A_358 = vector.shape_cast %reduce_sum3A_357 : vector<1xf32> to vector<1x1xf32>
    %reduce_sum3A_359 = vector.extract %reduce_sum3A_358[0, 0] : f32 from vector<1x1xf32>
    %add3A_360 = arith.addf %reduce_sum3A_353, %reduce_sum3A_359 : f32
    %sub3A = arith.constant 0x4A800000 : f32
    %sub3A_361 = arith.subf %sub3A, %add3A_208 : f32
    %sub3A_362 = arith.subf %add3A, %add3A_37 : f32
    %gt3A = arith.constant 0.000000e+00 : f32
    %gt3A_363 = arith.cmpf ogt, %sub3A_361, %gt3A : f32
    %jit3A = arith.constant 1.000000e+00 : f32
    %jit3A_364 = arith.constant 0.000000e+00 : f32
    %select_n3A = arith.select %gt3A_363, %jit3A, %jit3A_364 : f32
    %add3A_365 = arith.constant 0.000000e+00 : f32
    %add3A_366 = arith.addf %add3A_365, %select_n3A : f32
    %max3A = arith.constant 1.000000e+00 : f32
    %max3A_367 = arith.maximumf %sub3A_361, %max3A : f32
    %div3A = arith.divf %sub3A_362, %max3A_367 : f32
    %jit3A_368 = arith.constant 0.000000e+00 : f32
    %select_n3A_369 = arith.select %gt3A_363, %div3A, %jit3A_368 : f32
    %add3A_370 = arith.constant 0.000000e+00 : f32
    %add3A_371 = arith.addf %add3A_370, %select_n3A_369 : f32
    %sub3A_372 = arith.subf %add3A_208, %add3A_227 : f32
    %sub3A_373 = arith.subf %add3A_37, %add3A_56 : f32
    %gt3A_374 = arith.constant 0.000000e+00 : f32
    %gt3A_375 = arith.cmpf ogt, %sub3A_372, %gt3A_374 : f32
    %jit3A_376 = arith.constant 1.000000e+00 : f32
    %jit3A_377 = arith.constant 0.000000e+00 : f32
    %select_n3A_378 = arith.select %gt3A_375, %jit3A_376, %jit3A_377 : f32
    %add3A_379 = arith.addf %add3A_366, %select_n3A_378 : f32
    %max3A_380 = arith.constant 1.000000e+00 : f32
    %max3A_381 = arith.maximumf %sub3A_372, %max3A_380 : f32
    %div3A_382 = arith.divf %sub3A_373, %max3A_381 : f32
    %jit3A_383 = arith.constant 0.000000e+00 : f32
    %select_n3A_384 = arith.select %gt3A_375, %div3A_382, %jit3A_383 : f32
    %add3A_385 = arith.addf %add3A_371, %select_n3A_384 : f32
    %sub3A_386 = arith.subf %add3A_227, %add3A_246 : f32
    %sub3A_387 = arith.subf %add3A_56, %add3A_75 : f32
    %gt3A_388 = arith.constant 0.000000e+00 : f32
    %gt3A_389 = arith.cmpf ogt, %sub3A_386, %gt3A_388 : f32
    %jit3A_390 = arith.constant 1.000000e+00 : f32
    %jit3A_391 = arith.constant 0.000000e+00 : f32
    %select_n3A_392 = arith.select %gt3A_389, %jit3A_390, %jit3A_391 : f32
    %add3A_393 = arith.addf %add3A_379, %select_n3A_392 : f32
    %max3A_394 = arith.constant 1.000000e+00 : f32
    %max3A_395 = arith.maximumf %sub3A_386, %max3A_394 : f32
    %div3A_396 = arith.divf %sub3A_387, %max3A_395 : f32
    %jit3A_397 = arith.constant 0.000000e+00 : f32
    %select_n3A_398 = arith.select %gt3A_389, %div3A_396, %jit3A_397 : f32
    %add3A_399 = arith.addf %add3A_385, %select_n3A_398 : f32
    %sub3A_400 = arith.subf %add3A_246, %add3A_265 : f32
    %sub3A_401 = arith.subf %add3A_75, %add3A_94 : f32
    %gt3A_402 = arith.constant 0.000000e+00 : f32
    %gt3A_403 = arith.cmpf ogt, %sub3A_400, %gt3A_402 : f32
    %jit3A_404 = arith.constant 1.000000e+00 : f32
    %jit3A_405 = arith.constant 0.000000e+00 : f32
    %select_n3A_406 = arith.select %gt3A_403, %jit3A_404, %jit3A_405 : f32
    %add3A_407 = arith.addf %add3A_393, %select_n3A_406 : f32
    %max3A_408 = arith.constant 1.000000e+00 : f32
    %max3A_409 = arith.maximumf %sub3A_400, %max3A_408 : f32
    %div3A_410 = arith.divf %sub3A_401, %max3A_409 : f32
    %jit3A_411 = arith.constant 0.000000e+00 : f32
    %select_n3A_412 = arith.select %gt3A_403, %div3A_410, %jit3A_411 : f32
    %add3A_413 = arith.addf %add3A_399, %select_n3A_412 : f32
    %sub3A_414 = arith.subf %add3A_265, %add3A_284 : f32
    %sub3A_415 = arith.subf %add3A_94, %add3A_113 : f32
    %gt3A_416 = arith.constant 0.000000e+00 : f32
    %gt3A_417 = arith.cmpf ogt, %sub3A_414, %gt3A_416 : f32
    %jit3A_418 = arith.constant 1.000000e+00 : f32
    %jit3A_419 = arith.constant 0.000000e+00 : f32
    %select_n3A_420 = arith.select %gt3A_417, %jit3A_418, %jit3A_419 : f32
    %add3A_421 = arith.addf %add3A_407, %select_n3A_420 : f32
    %max3A_422 = arith.constant 1.000000e+00 : f32
    %max3A_423 = arith.maximumf %sub3A_414, %max3A_422 : f32
    %div3A_424 = arith.divf %sub3A_415, %max3A_423 : f32
    %jit3A_425 = arith.constant 0.000000e+00 : f32
    %select_n3A_426 = arith.select %gt3A_417, %div3A_424, %jit3A_425 : f32
    %add3A_427 = arith.addf %add3A_413, %select_n3A_426 : f32
    %sub3A_428 = arith.subf %add3A_284, %add3A_303 : f32
    %sub3A_429 = arith.subf %add3A_113, %add3A_132 : f32
    %gt3A_430 = arith.constant 0.000000e+00 : f32
    %gt3A_431 = arith.cmpf ogt, %sub3A_428, %gt3A_430 : f32
    %jit3A_432 = arith.constant 1.000000e+00 : f32
    %jit3A_433 = arith.constant 0.000000e+00 : f32
    %select_n3A_434 = arith.select %gt3A_431, %jit3A_432, %jit3A_433 : f32
    %add3A_435 = arith.addf %add3A_421, %select_n3A_434 : f32
    %max3A_436 = arith.constant 1.000000e+00 : f32
    %max3A_437 = arith.maximumf %sub3A_428, %max3A_436 : f32
    %div3A_438 = arith.divf %sub3A_429, %max3A_437 : f32
    %jit3A_439 = arith.constant 0.000000e+00 : f32
    %select_n3A_440 = arith.select %gt3A_431, %div3A_438, %jit3A_439 : f32
    %add3A_441 = arith.addf %add3A_427, %select_n3A_440 : f32
    %sub3A_442 = arith.subf %add3A_303, %add3A_322 : f32
    %sub3A_443 = arith.subf %add3A_132, %add3A_151 : f32
    %gt3A_444 = arith.constant 0.000000e+00 : f32
    %gt3A_445 = arith.cmpf ogt, %sub3A_442, %gt3A_444 : f32
    %jit3A_446 = arith.constant 1.000000e+00 : f32
    %jit3A_447 = arith.constant 0.000000e+00 : f32
    %select_n3A_448 = arith.select %gt3A_445, %jit3A_446, %jit3A_447 : f32
    %add3A_449 = arith.addf %add3A_435, %select_n3A_448 : f32
    %max3A_450 = arith.constant 1.000000e+00 : f32
    %max3A_451 = arith.maximumf %sub3A_442, %max3A_450 : f32
    %div3A_452 = arith.divf %sub3A_443, %max3A_451 : f32
    %jit3A_453 = arith.constant 0.000000e+00 : f32
    %select_n3A_454 = arith.select %gt3A_445, %div3A_452, %jit3A_453 : f32
    %add3A_455 = arith.addf %add3A_441, %select_n3A_454 : f32
    %sub3A_456 = arith.subf %add3A_322, %add3A_341 : f32
    %sub3A_457 = arith.subf %add3A_151, %add3A_170 : f32
    %gt3A_458 = arith.constant 0.000000e+00 : f32
    %gt3A_459 = arith.cmpf ogt, %sub3A_456, %gt3A_458 : f32
    %jit3A_460 = arith.constant 1.000000e+00 : f32
    %jit3A_461 = arith.constant 0.000000e+00 : f32
    %select_n3A_462 = arith.select %gt3A_459, %jit3A_460, %jit3A_461 : f32
    %add3A_463 = arith.addf %add3A_449, %select_n3A_462 : f32
    %max3A_464 = arith.constant 1.000000e+00 : f32
    %max3A_465 = arith.maximumf %sub3A_456, %max3A_464 : f32
    %div3A_466 = arith.divf %sub3A_457, %max3A_465 : f32
    %jit3A_467 = arith.constant 0.000000e+00 : f32
    %select_n3A_468 = arith.select %gt3A_459, %div3A_466, %jit3A_467 : f32
    %add3A_469 = arith.addf %add3A_455, %select_n3A_468 : f32
    %sub3A_470 = arith.subf %add3A_341, %add3A_360 : f32
    %sub3A_471 = arith.subf %add3A_170, %add3A_189 : f32
    %gt3A_472 = arith.constant 0.000000e+00 : f32
    %gt3A_473 = arith.cmpf ogt, %sub3A_470, %gt3A_472 : f32
    %jit3A_474 = arith.constant 1.000000e+00 : f32
    %jit3A_475 = arith.constant 0.000000e+00 : f32
    %select_n3A_476 = arith.select %gt3A_473, %jit3A_474, %jit3A_475 : f32
    %add3A_477 = arith.addf %add3A_463, %select_n3A_476 : f32
    %max3A_478 = arith.constant 1.000000e+00 : f32
    %max3A_479 = arith.maximumf %sub3A_470, %max3A_478 : f32
    %div3A_480 = arith.divf %sub3A_471, %max3A_479 : f32
    %jit3A_481 = arith.constant 0.000000e+00 : f32
    %select_n3A_482 = arith.select %gt3A_473, %div3A_480, %jit3A_481 : f32
    %add3A_483 = arith.addf %add3A_469, %select_n3A_482 : f32
    %sub3A_484 = arith.constant 0.000000e+00 : f32
    %sub3A_485 = arith.subf %add3A_360, %sub3A_484 : f32
    %sub3A_486 = arith.constant 0.000000e+00 : f32
    %sub3A_487 = arith.subf %add3A_189, %sub3A_486 : f32
    %gt3A_488 = arith.constant 0.000000e+00 : f32
    %gt3A_489 = arith.cmpf ogt, %sub3A_485, %gt3A_488 : f32
    %jit3A_490 = arith.constant 1.000000e+00 : f32
    %jit3A_491 = arith.constant 0.000000e+00 : f32
    %select_n3A_492 = arith.select %gt3A_489, %jit3A_490, %jit3A_491 : f32
    %add3A_493 = arith.addf %add3A_477, %select_n3A_492 : f32
    %max3A_494 = arith.constant 1.000000e+00 : f32
    %max3A_495 = arith.maximumf %sub3A_485, %max3A_494 : f32
    %div3A_496 = arith.divf %sub3A_487, %max3A_495 : f32
    %jit3A_497 = arith.constant 0.000000e+00 : f32
    %select_n3A_498 = arith.select %gt3A_489, %div3A_496, %jit3A_497 : f32
    %add3A_499 = arith.addf %add3A_483, %select_n3A_498 : f32
    %max3A_500 = arith.constant 1.000000e+00 : f32
    %max3A_501 = arith.maximumf %add3A_493, %max3A_500 : f32
    %div3A_502 = arith.divf %add3A_499, %max3A_501 : f32
    %swap3A = arith.constant 0 : index
    %swap3A_503 = arith.constant 0 : index
    %swap3A_504 = memref.load %arg2[%swap3A, %swap3A_503] : memref<1x1xf32, #tpu.memory_space<smem>>
    memref.store %div3A_502, %arg2[%swap3A, %swap3A_503] : memref<1x1xf32, #tpu.memory_space<smem>>
    return
  }
}

module attributes {stable_mosaic.version = 14 : i64} {
  func.func @_tc_body(%arg0: i32, %arg1: memref<2048x128xf32, #tpu.memory_space<vmem>>, %arg2: memref<2048x128xi32, #tpu.memory_space<vmem>>, %arg3: memref<19x8x128xf32, #tpu.memory_space<vmem>>) attributes {dimension_semantics = [#tpu.dimension_semantics<arbitrary>], iteration_bounds = array<i64: 15>, scalar_prefetch = 0 : i64, scratch_operands = 0 : i64, tpu.core_type = #tpu.core_type<tc>, window_params = [{transform_indices = @transform_0, window_bounds = array<i64: 2048, 128>}, {transform_indices = @transform_1, window_bounds = array<i64: 2048, 128>}, {pipeline_mode = #tpu.pipeline_mode<synchronous>, transform_indices = @transform_2, window_bounds = array<i64: 19, 8, 128>}]} {
    %eq3A = arith.constant 0 : i32
    %eq3A_0 = arith.cmpi eq, %arg0, %eq3A : i32
    %convert_element_type3A = arith.extui %eq3A_0 : i1 to i32
    %cond3A = arith.constant 0 : i32
    %cond3A_1 = arith.cmpi ne, %convert_element_type3A, %cond3A : i32
    scf.if %cond3A_1 {
      %broadcast_in_dim3A_402 = arith.constant 0.000000e+00 : f32
      %broadcast_in_dim3A_403 = vector.broadcast %broadcast_in_dim3A_402 : f32 to vector<19x8x128xf32>
      %swap3A_404 = arith.constant 0 : index
      %swap3A_405 = arith.constant 0 : index
      %swap3A_406 = arith.constant 0 : index
      %swap3A_407 = vector.load %arg3[%swap3A_404, %swap3A_405, %swap3A_406] : memref<19x8x128xf32, #tpu.memory_space<vmem>>, vector<19x8x128xf32>
      tpu.vector_store %arg3[%swap3A_404, %swap3A_405, %swap3A_406], %broadcast_in_dim3A_403 {strides = array<i32>} : memref<19x8x128xf32, #tpu.memory_space<vmem>>, vector<19x8x128xf32>,
    } else {
    }
    %get3A = arith.constant 0 : index
    %get3A_2 = arith.constant 0 : index
    %get3A_3 = vector.load %arg1[%get3A, %get3A_2] : memref<2048x128xf32, #tpu.memory_space<vmem>>, vector<2048x128xf32>
    %get3A_4 = arith.constant 0 : index
    %get3A_5 = arith.constant 0 : index
    %get3A_6 = vector.load %arg2[%get3A_4, %get3A_5] : memref<2048x128xi32, #tpu.memory_space<vmem>>, vector<2048x128xi32>
    %bitcast_convert_type3A = tpu.bitcast %get3A_3 : vector<2048x128xf32> -> vector<2048x128xi32>
    %shift_left3A = arith.constant 31 : i32
    %shift_left3A_7 = vector.broadcast %shift_left3A : i32 to vector<2048x128xi32>
    %shift_left3A_8 = arith.shli %get3A_6, %shift_left3A_7 : vector<2048x128xi32>
    %xor3A = arith.xori %bitcast_convert_type3A, %shift_left3A_8 : vector<2048x128xi32>
    %bitcast_convert_type3A_9 = tpu.bitcast %xor3A : vector<2048x128xi32> -> vector<2048x128xf32>
    %abs3A = math.absf %bitcast_convert_type3A_9 : vector<2048x128xf32>
    %neg3A = arith.constant 0.000000e+00 : f32
    %neg3A_10 = vector.broadcast %neg3A : f32 to vector<2048x128xf32>
    %neg3A_11 = arith.subf %neg3A_10, %abs3A : vector<2048x128xf32>
    %exp3A = math.exp %neg3A_11 : vector<2048x128xf32>
    %max3A = arith.constant 0.000000e+00 : f32
    %max3A_12 = vector.broadcast %max3A : f32 to vector<2048x128xf32>
    %max3A_13 = arith.maximumf %bitcast_convert_type3A_9, %max3A_12 : vector<2048x128xf32>
    %log1p3A = math.log1p %exp3A : vector<2048x128xf32>
    %add3A = arith.addf %max3A_13, %log1p3A : vector<2048x128xf32>
    %broadcast_in_dim3A = arith.constant 1.000000e+00 : f32
    %broadcast_in_dim3A_14 = vector.broadcast %broadcast_in_dim3A : f32 to vector<8x2048xf32>
    %ge3A = arith.constant -2.19722462 : f32
    %ge3A_15 = vector.broadcast %ge3A : f32 to vector<2048x128xf32>
    %ge3A_16 = arith.cmpf oge, %bitcast_convert_type3A_9, %ge3A_15 : vector<2048x128xf32>
    %jit3A = arith.constant 0.000000e+00 : f32
    %broadcast_in_dim3A_17 = vector.broadcast %jit3A : f32 to vector<2048x128xf32>
    %select_n3A = arith.select %ge3A_16, %add3A, %broadcast_in_dim3A_17 : vector<2048x128xi1>, vector<2048x128xf32>
    %ge3A_18 = arith.constant -1.38629436 : f32
    %ge3A_19 = vector.broadcast %ge3A_18 : f32 to vector<2048x128xf32>
    %ge3A_20 = arith.cmpf oge, %bitcast_convert_type3A_9, %ge3A_19 : vector<2048x128xf32>
    %jit3A_21 = arith.constant 0.000000e+00 : f32
    %broadcast_in_dim3A_22 = vector.broadcast %jit3A_21 : f32 to vector<2048x128xf32>
    %select_n3A_23 = arith.select %ge3A_20, %add3A, %broadcast_in_dim3A_22 : vector<2048x128xi1>, vector<2048x128xf32>
    %ge3A_24 = arith.constant -0.847297787 : f32
    %ge3A_25 = vector.broadcast %ge3A_24 : f32 to vector<2048x128xf32>
    %ge3A_26 = arith.cmpf oge, %bitcast_convert_type3A_9, %ge3A_25 : vector<2048x128xf32>
    %jit3A_27 = arith.constant 0.000000e+00 : f32
    %broadcast_in_dim3A_28 = vector.broadcast %jit3A_27 : f32 to vector<2048x128xf32>
    %select_n3A_29 = arith.select %ge3A_26, %add3A, %broadcast_in_dim3A_28 : vector<2048x128xi1>, vector<2048x128xf32>
    %ge3A_30 = arith.constant -0.405465096 : f32
    %ge3A_31 = vector.broadcast %ge3A_30 : f32 to vector<2048x128xf32>
    %ge3A_32 = arith.cmpf oge, %bitcast_convert_type3A_9, %ge3A_31 : vector<2048x128xf32>
    %jit3A_33 = arith.constant 0.000000e+00 : f32
    %broadcast_in_dim3A_34 = vector.broadcast %jit3A_33 : f32 to vector<2048x128xf32>
    %select_n3A_35 = arith.select %ge3A_32, %add3A, %broadcast_in_dim3A_34 : vector<2048x128xi1>, vector<2048x128xf32>
    %ge3A_36 = arith.constant 0.000000e+00 : f32
    %ge3A_37 = vector.broadcast %ge3A_36 : f32 to vector<2048x128xf32>
    %ge3A_38 = arith.cmpf oge, %bitcast_convert_type3A_9, %ge3A_37 : vector<2048x128xf32>
    %jit3A_39 = arith.constant 0.000000e+00 : f32
    %broadcast_in_dim3A_40 = vector.broadcast %jit3A_39 : f32 to vector<2048x128xf32>
    %select_n3A_41 = arith.select %ge3A_38, %add3A, %broadcast_in_dim3A_40 : vector<2048x128xi1>, vector<2048x128xf32>
    %ge3A_42 = arith.constant 0.405465215 : f32
    %ge3A_43 = vector.broadcast %ge3A_42 : f32 to vector<2048x128xf32>
    %ge3A_44 = arith.cmpf oge, %bitcast_convert_type3A_9, %ge3A_43 : vector<2048x128xf32>
    %jit3A_45 = arith.constant 0.000000e+00 : f32
    %broadcast_in_dim3A_46 = vector.broadcast %jit3A_45 : f32 to vector<2048x128xf32>
    %select_n3A_47 = arith.select %ge3A_44, %add3A, %broadcast_in_dim3A_46 : vector<2048x128xi1>, vector<2048x128xf32>
    %ge3A_48 = arith.constant 0.847297787 : f32
    %ge3A_49 = vector.broadcast %ge3A_48 : f32 to vector<2048x128xf32>
    %ge3A_50 = arith.cmpf oge, %bitcast_convert_type3A_9, %ge3A_49 : vector<2048x128xf32>
    %jit3A_51 = arith.constant 0.000000e+00 : f32
    %broadcast_in_dim3A_52 = vector.broadcast %jit3A_51 : f32 to vector<2048x128xf32>
    %select_n3A_53 = arith.select %ge3A_50, %add3A, %broadcast_in_dim3A_52 : vector<2048x128xi1>, vector<2048x128xf32>
    %ge3A_54 = arith.constant 1.38629448 : f32
    %ge3A_55 = vector.broadcast %ge3A_54 : f32 to vector<2048x128xf32>
    %ge3A_56 = arith.cmpf oge, %bitcast_convert_type3A_9, %ge3A_55 : vector<2048x128xf32>
    %jit3A_57 = arith.constant 0.000000e+00 : f32
    %broadcast_in_dim3A_58 = vector.broadcast %jit3A_57 : f32 to vector<2048x128xf32>
    %select_n3A_59 = arith.select %ge3A_56, %add3A, %broadcast_in_dim3A_58 : vector<2048x128xi1>, vector<2048x128xf32>
    %ge3A_60 = arith.constant 2.19722438 : f32
    %ge3A_61 = vector.broadcast %ge3A_60 : f32 to vector<2048x128xf32>
    %ge3A_62 = arith.cmpf oge, %bitcast_convert_type3A_9, %ge3A_61 : vector<2048x128xf32>
    %jit3A_63 = arith.constant 0.000000e+00 : f32
    %broadcast_in_dim3A_64 = vector.broadcast %jit3A_63 : f32 to vector<2048x128xf32>
    %select_n3A_65 = arith.select %ge3A_62, %add3A, %broadcast_in_dim3A_64 : vector<2048x128xi1>, vector<2048x128xf32>
    %ge3A_66 = arith.constant -2.19722462 : f32
    %ge3A_67 = vector.broadcast %ge3A_66 : f32 to vector<2048x128xf32>
    %ge3A_68 = arith.cmpf oge, %bitcast_convert_type3A_9, %ge3A_67 : vector<2048x128xf32>
    %jit3A_69 = arith.constant 1.000000e+00 : f32
    %jit3A_70 = arith.constant 0.000000e+00 : f32
    %broadcast_in_dim3A_71 = vector.broadcast %jit3A_69 : f32 to vector<2048x128xf32>
    %broadcast_in_dim3A_72 = vector.broadcast %jit3A_70 : f32 to vector<2048x128xf32>
    %select_n3A_73 = arith.select %ge3A_68, %broadcast_in_dim3A_71, %broadcast_in_dim3A_72 : vector<2048x128xi1>, vector<2048x128xf32>
    %ge3A_74 = arith.constant -1.38629436 : f32
    %ge3A_75 = vector.broadcast %ge3A_74 : f32 to vector<2048x128xf32>
    %ge3A_76 = arith.cmpf oge, %bitcast_convert_type3A_9, %ge3A_75 : vector<2048x128xf32>
    %jit3A_77 = arith.constant 1.000000e+00 : f32
    %jit3A_78 = arith.constant 0.000000e+00 : f32
    %broadcast_in_dim3A_79 = vector.broadcast %jit3A_77 : f32 to vector<2048x128xf32>
    %broadcast_in_dim3A_80 = vector.broadcast %jit3A_78 : f32 to vector<2048x128xf32>
    %select_n3A_81 = arith.select %ge3A_76, %broadcast_in_dim3A_79, %broadcast_in_dim3A_80 : vector<2048x128xi1>, vector<2048x128xf32>
    %ge3A_82 = arith.constant -0.847297787 : f32
    %ge3A_83 = vector.broadcast %ge3A_82 : f32 to vector<2048x128xf32>
    %ge3A_84 = arith.cmpf oge, %bitcast_convert_type3A_9, %ge3A_83 : vector<2048x128xf32>
    %jit3A_85 = arith.constant 1.000000e+00 : f32
    %jit3A_86 = arith.constant 0.000000e+00 : f32
    %broadcast_in_dim3A_87 = vector.broadcast %jit3A_85 : f32 to vector<2048x128xf32>
    %broadcast_in_dim3A_88 = vector.broadcast %jit3A_86 : f32 to vector<2048x128xf32>
    %select_n3A_89 = arith.select %ge3A_84, %broadcast_in_dim3A_87, %broadcast_in_dim3A_88 : vector<2048x128xi1>, vector<2048x128xf32>
    %ge3A_90 = arith.constant -0.405465096 : f32
    %ge3A_91 = vector.broadcast %ge3A_90 : f32 to vector<2048x128xf32>
    %ge3A_92 = arith.cmpf oge, %bitcast_convert_type3A_9, %ge3A_91 : vector<2048x128xf32>
    %jit3A_93 = arith.constant 1.000000e+00 : f32
    %jit3A_94 = arith.constant 0.000000e+00 : f32
    %broadcast_in_dim3A_95 = vector.broadcast %jit3A_93 : f32 to vector<2048x128xf32>
    %broadcast_in_dim3A_96 = vector.broadcast %jit3A_94 : f32 to vector<2048x128xf32>
    %select_n3A_97 = arith.select %ge3A_92, %broadcast_in_dim3A_95, %broadcast_in_dim3A_96 : vector<2048x128xi1>, vector<2048x128xf32>
    %ge3A_98 = arith.constant 0.000000e+00 : f32
    %ge3A_99 = vector.broadcast %ge3A_98 : f32 to vector<2048x128xf32>
    %ge3A_100 = arith.cmpf oge, %bitcast_convert_type3A_9, %ge3A_99 : vector<2048x128xf32>
    %jit3A_101 = arith.constant 1.000000e+00 : f32
    %jit3A_102 = arith.constant 0.000000e+00 : f32
    %broadcast_in_dim3A_103 = vector.broadcast %jit3A_101 : f32 to vector<2048x128xf32>
    %broadcast_in_dim3A_104 = vector.broadcast %jit3A_102 : f32 to vector<2048x128xf32>
    %select_n3A_105 = arith.select %ge3A_100, %broadcast_in_dim3A_103, %broadcast_in_dim3A_104 : vector<2048x128xi1>, vector<2048x128xf32>
    %ge3A_106 = arith.constant 0.405465215 : f32
    %ge3A_107 = vector.broadcast %ge3A_106 : f32 to vector<2048x128xf32>
    %ge3A_108 = arith.cmpf oge, %bitcast_convert_type3A_9, %ge3A_107 : vector<2048x128xf32>
    %jit3A_109 = arith.constant 1.000000e+00 : f32
    %jit3A_110 = arith.constant 0.000000e+00 : f32
    %broadcast_in_dim3A_111 = vector.broadcast %jit3A_109 : f32 to vector<2048x128xf32>
    %broadcast_in_dim3A_112 = vector.broadcast %jit3A_110 : f32 to vector<2048x128xf32>
    %select_n3A_113 = arith.select %ge3A_108, %broadcast_in_dim3A_111, %broadcast_in_dim3A_112 : vector<2048x128xi1>, vector<2048x128xf32>
    %ge3A_114 = arith.constant 0.847297787 : f32
    %ge3A_115 = vector.broadcast %ge3A_114 : f32 to vector<2048x128xf32>
    %ge3A_116 = arith.cmpf oge, %bitcast_convert_type3A_9, %ge3A_115 : vector<2048x128xf32>
    %jit3A_117 = arith.constant 1.000000e+00 : f32
    %jit3A_118 = arith.constant 0.000000e+00 : f32
    %broadcast_in_dim3A_119 = vector.broadcast %jit3A_117 : f32 to vector<2048x128xf32>
    %broadcast_in_dim3A_120 = vector.broadcast %jit3A_118 : f32 to vector<2048x128xf32>
    %select_n3A_121 = arith.select %ge3A_116, %broadcast_in_dim3A_119, %broadcast_in_dim3A_120 : vector<2048x128xi1>, vector<2048x128xf32>
    %ge3A_122 = arith.constant 1.38629448 : f32
    %ge3A_123 = vector.broadcast %ge3A_122 : f32 to vector<2048x128xf32>
    %ge3A_124 = arith.cmpf oge, %bitcast_convert_type3A_9, %ge3A_123 : vector<2048x128xf32>
    %jit3A_125 = arith.constant 1.000000e+00 : f32
    %jit3A_126 = arith.constant 0.000000e+00 : f32
    %broadcast_in_dim3A_127 = vector.broadcast %jit3A_125 : f32 to vector<2048x128xf32>
    %broadcast_in_dim3A_128 = vector.broadcast %jit3A_126 : f32 to vector<2048x128xf32>
    %select_n3A_129 = arith.select %ge3A_124, %broadcast_in_dim3A_127, %broadcast_in_dim3A_128 : vector<2048x128xi1>, vector<2048x128xf32>
    %ge3A_130 = arith.constant 2.19722438 : f32
    %ge3A_131 = vector.broadcast %ge3A_130 : f32 to vector<2048x128xf32>
    %ge3A_132 = arith.cmpf oge, %bitcast_convert_type3A_9, %ge3A_131 : vector<2048x128xf32>
    %jit3A_133 = arith.constant 1.000000e+00 : f32
    %jit3A_134 = arith.constant 0.000000e+00 : f32
    %broadcast_in_dim3A_135 = vector.broadcast %jit3A_133 : f32 to vector<2048x128xf32>
    %broadcast_in_dim3A_136 = vector.broadcast %jit3A_134 : f32 to vector<2048x128xf32>
    %select_n3A_137 = arith.select %ge3A_132, %broadcast_in_dim3A_135, %broadcast_in_dim3A_136 : vector<2048x128xi1>, vector<2048x128xf32>
    %dot_general3A = arith.constant dense<0.000000e+00> : vector<8x128xf32>
    %dot_general3A_138 = tpu.matmul %broadcast_in_dim3A_14, %add3A, %dot_general3A {dimension_numbers = #tpu.dot_dimension_numbers<[1], [0], [0], [1], [0, 0, 1, 1], [], []>, transpose_lhs_hint = false} : vector<8x2048xf32>, vector<2048x128xf32>, vector<8x128xf32> -> vector<8x128xf32>
    %get3A_139 = arith.constant 0 : index
    %get3A_140 = arith.constant 0 : index
    %get3A_141 = arith.constant 0 : index
    %get3A_142 = vector.load %arg3[%get3A_139, %get3A_140, %get3A_141] : memref<19x8x128xf32, #tpu.memory_space<vmem>>, vector<1x8x128xf32>
    %get3A_143 = vector.shape_cast %get3A_142 : vector<1x8x128xf32> to vector<8x128xf32>
    %add3A_144 = arith.addf %get3A_143, %dot_general3A_138 : vector<8x128xf32>
    %swap3A = arith.constant 0 : index
    %swap3A_145 = arith.constant 0 : index
    %swap3A_146 = arith.constant 0 : index
    %swap3A_147 = vector.load %arg3[%swap3A, %swap3A_145, %swap3A_146] : memref<19x8x128xf32, #tpu.memory_space<vmem>>, vector<1x8x128xf32>
    %swap3A_148 = vector.shape_cast %swap3A_147 : vector<1x8x128xf32> to vector<8x128xf32>
    %swap3A_149 = vector.shape_cast %add3A_144 : vector<8x128xf32> to vector<1x8x128xf32>
    tpu.vector_store %arg3[%swap3A, %swap3A_145, %swap3A_146], %swap3A_149 {strides = array<i32>} : memref<19x8x128xf32, #tpu.memory_space<vmem>>, vector<1x8x128xf32>,
    %dot_general3A_150 = arith.constant dense<0.000000e+00> : vector<8x128xf32>
    %dot_general3A_151 = tpu.matmul %broadcast_in_dim3A_14, %select_n3A, %dot_general3A_150 {dimension_numbers = #tpu.dot_dimension_numbers<[1], [0], [0], [1], [0, 0, 1, 1], [], []>, transpose_lhs_hint = false} : vector<8x2048xf32>, vector<2048x128xf32>, vector<8x128xf32> -> vector<8x128xf32>
    %get3A_152 = arith.constant 1 : index
    %get3A_153 = arith.constant 0 : index
    %get3A_154 = arith.constant 0 : index
    %get3A_155 = vector.load %arg3[%get3A_152, %get3A_153, %get3A_154] : memref<19x8x128xf32, #tpu.memory_space<vmem>>, vector<1x8x128xf32>
    %get3A_156 = vector.shape_cast %get3A_155 : vector<1x8x128xf32> to vector<8x128xf32>
    %add3A_157 = arith.addf %get3A_156, %dot_general3A_151 : vector<8x128xf32>
    %swap3A_158 = arith.constant 1 : index
    %swap3A_159 = arith.constant 0 : index
    %swap3A_160 = arith.constant 0 : index
    %swap3A_161 = vector.load %arg3[%swap3A_158, %swap3A_159, %swap3A_160] : memref<19x8x128xf32, #tpu.memory_space<vmem>>, vector<1x8x128xf32>
    %swap3A_162 = vector.shape_cast %swap3A_161 : vector<1x8x128xf32> to vector<8x128xf32>
    %swap3A_163 = vector.shape_cast %add3A_157 : vector<8x128xf32> to vector<1x8x128xf32>
    tpu.vector_store %arg3[%swap3A_158, %swap3A_159, %swap3A_160], %swap3A_163 {strides = array<i32>} : memref<19x8x128xf32, #tpu.memory_space<vmem>>, vector<1x8x128xf32>,
    %dot_general3A_164 = arith.constant dense<0.000000e+00> : vector<8x128xf32>
    %dot_general3A_165 = tpu.matmul %broadcast_in_dim3A_14, %select_n3A_23, %dot_general3A_164 {dimension_numbers = #tpu.dot_dimension_numbers<[1], [0], [0], [1], [0, 0, 1, 1], [], []>, transpose_lhs_hint = false} : vector<8x2048xf32>, vector<2048x128xf32>, vector<8x128xf32> -> vector<8x128xf32>
    %get3A_166 = arith.constant 2 : index
    %get3A_167 = arith.constant 0 : index
    %get3A_168 = arith.constant 0 : index
    %get3A_169 = vector.load %arg3[%get3A_166, %get3A_167, %get3A_168] : memref<19x8x128xf32, #tpu.memory_space<vmem>>, vector<1x8x128xf32>
    %get3A_170 = vector.shape_cast %get3A_169 : vector<1x8x128xf32> to vector<8x128xf32>
    %add3A_171 = arith.addf %get3A_170, %dot_general3A_165 : vector<8x128xf32>
    %swap3A_172 = arith.constant 2 : index
    %swap3A_173 = arith.constant 0 : index
    %swap3A_174 = arith.constant 0 : index
    %swap3A_175 = vector.load %arg3[%swap3A_172, %swap3A_173, %swap3A_174] : memref<19x8x128xf32, #tpu.memory_space<vmem>>, vector<1x8x128xf32>
    %swap3A_176 = vector.shape_cast %swap3A_175 : vector<1x8x128xf32> to vector<8x128xf32>
    %swap3A_177 = vector.shape_cast %add3A_171 : vector<8x128xf32> to vector<1x8x128xf32>
    tpu.vector_store %arg3[%swap3A_172, %swap3A_173, %swap3A_174], %swap3A_177 {strides = array<i32>} : memref<19x8x128xf32, #tpu.memory_space<vmem>>, vector<1x8x128xf32>,
    %dot_general3A_178 = arith.constant dense<0.000000e+00> : vector<8x128xf32>
    %dot_general3A_179 = tpu.matmul %broadcast_in_dim3A_14, %select_n3A_29, %dot_general3A_178 {dimension_numbers = #tpu.dot_dimension_numbers<[1], [0], [0], [1], [0, 0, 1, 1], [], []>, transpose_lhs_hint = false} : vector<8x2048xf32>, vector<2048x128xf32>, vector<8x128xf32> -> vector<8x128xf32>
    %get3A_180 = arith.constant 3 : index
    %get3A_181 = arith.constant 0 : index
    %get3A_182 = arith.constant 0 : index
    %get3A_183 = vector.load %arg3[%get3A_180, %get3A_181, %get3A_182] : memref<19x8x128xf32, #tpu.memory_space<vmem>>, vector<1x8x128xf32>
    %get3A_184 = vector.shape_cast %get3A_183 : vector<1x8x128xf32> to vector<8x128xf32>
    %add3A_185 = arith.addf %get3A_184, %dot_general3A_179 : vector<8x128xf32>
    %swap3A_186 = arith.constant 3 : index
    %swap3A_187 = arith.constant 0 : index
    %swap3A_188 = arith.constant 0 : index
    %swap3A_189 = vector.load %arg3[%swap3A_186, %swap3A_187, %swap3A_188] : memref<19x8x128xf32, #tpu.memory_space<vmem>>, vector<1x8x128xf32>
    %swap3A_190 = vector.shape_cast %swap3A_189 : vector<1x8x128xf32> to vector<8x128xf32>
    %swap3A_191 = vector.shape_cast %add3A_185 : vector<8x128xf32> to vector<1x8x128xf32>
    tpu.vector_store %arg3[%swap3A_186, %swap3A_187, %swap3A_188], %swap3A_191 {strides = array<i32>} : memref<19x8x128xf32, #tpu.memory_space<vmem>>, vector<1x8x128xf32>,
    %dot_general3A_192 = arith.constant dense<0.000000e+00> : vector<8x128xf32>
    %dot_general3A_193 = tpu.matmul %broadcast_in_dim3A_14, %select_n3A_35, %dot_general3A_192 {dimension_numbers = #tpu.dot_dimension_numbers<[1], [0], [0], [1], [0, 0, 1, 1], [], []>, transpose_lhs_hint = false} : vector<8x2048xf32>, vector<2048x128xf32>, vector<8x128xf32> -> vector<8x128xf32>
    %get3A_194 = arith.constant 4 : index
    %get3A_195 = arith.constant 0 : index
    %get3A_196 = arith.constant 0 : index
    %get3A_197 = vector.load %arg3[%get3A_194, %get3A_195, %get3A_196] : memref<19x8x128xf32, #tpu.memory_space<vmem>>, vector<1x8x128xf32>
    %get3A_198 = vector.shape_cast %get3A_197 : vector<1x8x128xf32> to vector<8x128xf32>
    %add3A_199 = arith.addf %get3A_198, %dot_general3A_193 : vector<8x128xf32>
    %swap3A_200 = arith.constant 4 : index
    %swap3A_201 = arith.constant 0 : index
    %swap3A_202 = arith.constant 0 : index
    %swap3A_203 = vector.load %arg3[%swap3A_200, %swap3A_201, %swap3A_202] : memref<19x8x128xf32, #tpu.memory_space<vmem>>, vector<1x8x128xf32>
    %swap3A_204 = vector.shape_cast %swap3A_203 : vector<1x8x128xf32> to vector<8x128xf32>
    %swap3A_205 = vector.shape_cast %add3A_199 : vector<8x128xf32> to vector<1x8x128xf32>
    tpu.vector_store %arg3[%swap3A_200, %swap3A_201, %swap3A_202], %swap3A_205 {strides = array<i32>} : memref<19x8x128xf32, #tpu.memory_space<vmem>>, vector<1x8x128xf32>,
    %dot_general3A_206 = arith.constant dense<0.000000e+00> : vector<8x128xf32>
    %dot_general3A_207 = tpu.matmul %broadcast_in_dim3A_14, %select_n3A_41, %dot_general3A_206 {dimension_numbers = #tpu.dot_dimension_numbers<[1], [0], [0], [1], [0, 0, 1, 1], [], []>, transpose_lhs_hint = false} : vector<8x2048xf32>, vector<2048x128xf32>, vector<8x128xf32> -> vector<8x128xf32>
    %get3A_208 = arith.constant 5 : index
    %get3A_209 = arith.constant 0 : index
    %get3A_210 = arith.constant 0 : index
    %get3A_211 = vector.load %arg3[%get3A_208, %get3A_209, %get3A_210] : memref<19x8x128xf32, #tpu.memory_space<vmem>>, vector<1x8x128xf32>
    %get3A_212 = vector.shape_cast %get3A_211 : vector<1x8x128xf32> to vector<8x128xf32>
    %add3A_213 = arith.addf %get3A_212, %dot_general3A_207 : vector<8x128xf32>
    %swap3A_214 = arith.constant 5 : index
    %swap3A_215 = arith.constant 0 : index
    %swap3A_216 = arith.constant 0 : index
    %swap3A_217 = vector.load %arg3[%swap3A_214, %swap3A_215, %swap3A_216] : memref<19x8x128xf32, #tpu.memory_space<vmem>>, vector<1x8x128xf32>
    %swap3A_218 = vector.shape_cast %swap3A_217 : vector<1x8x128xf32> to vector<8x128xf32>
    %swap3A_219 = vector.shape_cast %add3A_213 : vector<8x128xf32> to vector<1x8x128xf32>
    tpu.vector_store %arg3[%swap3A_214, %swap3A_215, %swap3A_216], %swap3A_219 {strides = array<i32>} : memref<19x8x128xf32, #tpu.memory_space<vmem>>, vector<1x8x128xf32>,
    %dot_general3A_220 = arith.constant dense<0.000000e+00> : vector<8x128xf32>
    %dot_general3A_221 = tpu.matmul %broadcast_in_dim3A_14, %select_n3A_47, %dot_general3A_220 {dimension_numbers = #tpu.dot_dimension_numbers<[1], [0], [0], [1], [0, 0, 1, 1], [], []>, transpose_lhs_hint = false} : vector<8x2048xf32>, vector<2048x128xf32>, vector<8x128xf32> -> vector<8x128xf32>
    %get3A_222 = arith.constant 6 : index
    %get3A_223 = arith.constant 0 : index
    %get3A_224 = arith.constant 0 : index
    %get3A_225 = vector.load %arg3[%get3A_222, %get3A_223, %get3A_224] : memref<19x8x128xf32, #tpu.memory_space<vmem>>, vector<1x8x128xf32>
    %get3A_226 = vector.shape_cast %get3A_225 : vector<1x8x128xf32> to vector<8x128xf32>
    %add3A_227 = arith.addf %get3A_226, %dot_general3A_221 : vector<8x128xf32>
    %swap3A_228 = arith.constant 6 : index
    %swap3A_229 = arith.constant 0 : index
    %swap3A_230 = arith.constant 0 : index
    %swap3A_231 = vector.load %arg3[%swap3A_228, %swap3A_229, %swap3A_230] : memref<19x8x128xf32, #tpu.memory_space<vmem>>, vector<1x8x128xf32>
    %swap3A_232 = vector.shape_cast %swap3A_231 : vector<1x8x128xf32> to vector<8x128xf32>
    %swap3A_233 = vector.shape_cast %add3A_227 : vector<8x128xf32> to vector<1x8x128xf32>
    tpu.vector_store %arg3[%swap3A_228, %swap3A_229, %swap3A_230], %swap3A_233 {strides = array<i32>} : memref<19x8x128xf32, #tpu.memory_space<vmem>>, vector<1x8x128xf32>,
    %dot_general3A_234 = arith.constant dense<0.000000e+00> : vector<8x128xf32>
    %dot_general3A_235 = tpu.matmul %broadcast_in_dim3A_14, %select_n3A_53, %dot_general3A_234 {dimension_numbers = #tpu.dot_dimension_numbers<[1], [0], [0], [1], [0, 0, 1, 1], [], []>, transpose_lhs_hint = false} : vector<8x2048xf32>, vector<2048x128xf32>, vector<8x128xf32> -> vector<8x128xf32>
    %get3A_236 = arith.constant 7 : index
    %get3A_237 = arith.constant 0 : index
    %get3A_238 = arith.constant 0 : index
    %get3A_239 = vector.load %arg3[%get3A_236, %get3A_237, %get3A_238] : memref<19x8x128xf32, #tpu.memory_space<vmem>>, vector<1x8x128xf32>
    %get3A_240 = vector.shape_cast %get3A_239 : vector<1x8x128xf32> to vector<8x128xf32>
    %add3A_241 = arith.addf %get3A_240, %dot_general3A_235 : vector<8x128xf32>
    %swap3A_242 = arith.constant 7 : index
    %swap3A_243 = arith.constant 0 : index
    %swap3A_244 = arith.constant 0 : index
    %swap3A_245 = vector.load %arg3[%swap3A_242, %swap3A_243, %swap3A_244] : memref<19x8x128xf32, #tpu.memory_space<vmem>>, vector<1x8x128xf32>
    %swap3A_246 = vector.shape_cast %swap3A_245 : vector<1x8x128xf32> to vector<8x128xf32>
    %swap3A_247 = vector.shape_cast %add3A_241 : vector<8x128xf32> to vector<1x8x128xf32>
    tpu.vector_store %arg3[%swap3A_242, %swap3A_243, %swap3A_244], %swap3A_247 {strides = array<i32>} : memref<19x8x128xf32, #tpu.memory_space<vmem>>, vector<1x8x128xf32>,
    %dot_general3A_248 = arith.constant dense<0.000000e+00> : vector<8x128xf32>
    %dot_general3A_249 = tpu.matmul %broadcast_in_dim3A_14, %select_n3A_59, %dot_general3A_248 {dimension_numbers = #tpu.dot_dimension_numbers<[1], [0], [0], [1], [0, 0, 1, 1], [], []>, transpose_lhs_hint = false} : vector<8x2048xf32>, vector<2048x128xf32>, vector<8x128xf32> -> vector<8x128xf32>
    %get3A_250 = arith.constant 8 : index
    %get3A_251 = arith.constant 0 : index
    %get3A_252 = arith.constant 0 : index
    %get3A_253 = vector.load %arg3[%get3A_250, %get3A_251, %get3A_252] : memref<19x8x128xf32, #tpu.memory_space<vmem>>, vector<1x8x128xf32>
    %get3A_254 = vector.shape_cast %get3A_253 : vector<1x8x128xf32> to vector<8x128xf32>
    %add3A_255 = arith.addf %get3A_254, %dot_general3A_249 : vector<8x128xf32>
    %swap3A_256 = arith.constant 8 : index
    %swap3A_257 = arith.constant 0 : index
    %swap3A_258 = arith.constant 0 : index
    %swap3A_259 = vector.load %arg3[%swap3A_256, %swap3A_257, %swap3A_258] : memref<19x8x128xf32, #tpu.memory_space<vmem>>, vector<1x8x128xf32>
    %swap3A_260 = vector.shape_cast %swap3A_259 : vector<1x8x128xf32> to vector<8x128xf32>
    %swap3A_261 = vector.shape_cast %add3A_255 : vector<8x128xf32> to vector<1x8x128xf32>
    tpu.vector_store %arg3[%swap3A_256, %swap3A_257, %swap3A_258], %swap3A_261 {strides = array<i32>} : memref<19x8x128xf32, #tpu.memory_space<vmem>>, vector<1x8x128xf32>,
    %dot_general3A_262 = arith.constant dense<0.000000e+00> : vector<8x128xf32>
    %dot_general3A_263 = tpu.matmul %broadcast_in_dim3A_14, %select_n3A_65, %dot_general3A_262 {dimension_numbers = #tpu.dot_dimension_numbers<[1], [0], [0], [1], [0, 0, 1, 1], [], []>, transpose_lhs_hint = false} : vector<8x2048xf32>, vector<2048x128xf32>, vector<8x128xf32> -> vector<8x128xf32>
    %get3A_264 = arith.constant 9 : index
    %get3A_265 = arith.constant 0 : index
    %get3A_266 = arith.constant 0 : index
    %get3A_267 = vector.load %arg3[%get3A_264, %get3A_265, %get3A_266] : memref<19x8x128xf32, #tpu.memory_space<vmem>>, vector<1x8x128xf32>
    %get3A_268 = vector.shape_cast %get3A_267 : vector<1x8x128xf32> to vector<8x128xf32>
    %add3A_269 = arith.addf %get3A_268, %dot_general3A_263 : vector<8x128xf32>
    %swap3A_270 = arith.constant 9 : index
    %swap3A_271 = arith.constant 0 : index
    %swap3A_272 = arith.constant 0 : index
    %swap3A_273 = vector.load %arg3[%swap3A_270, %swap3A_271, %swap3A_272] : memref<19x8x128xf32, #tpu.memory_space<vmem>>, vector<1x8x128xf32>
    %swap3A_274 = vector.shape_cast %swap3A_273 : vector<1x8x128xf32> to vector<8x128xf32>
    %swap3A_275 = vector.shape_cast %add3A_269 : vector<8x128xf32> to vector<1x8x128xf32>
    tpu.vector_store %arg3[%swap3A_270, %swap3A_271, %swap3A_272], %swap3A_275 {strides = array<i32>} : memref<19x8x128xf32, #tpu.memory_space<vmem>>, vector<1x8x128xf32>,
    %dot_general3A_276 = arith.constant dense<0.000000e+00> : vector<8x128xf32>
    %dot_general3A_277 = tpu.matmul %broadcast_in_dim3A_14, %select_n3A_73, %dot_general3A_276 {dimension_numbers = #tpu.dot_dimension_numbers<[1], [0], [0], [1], [0, 0, 1, 1], [], []>, transpose_lhs_hint = false} : vector<8x2048xf32>, vector<2048x128xf32>, vector<8x128xf32> -> vector<8x128xf32>
    %get3A_278 = arith.constant 10 : index
    %get3A_279 = arith.constant 0 : index
    %get3A_280 = arith.constant 0 : index
    %get3A_281 = vector.load %arg3[%get3A_278, %get3A_279, %get3A_280] : memref<19x8x128xf32, #tpu.memory_space<vmem>>, vector<1x8x128xf32>
    %get3A_282 = vector.shape_cast %get3A_281 : vector<1x8x128xf32> to vector<8x128xf32>
    %add3A_283 = arith.addf %get3A_282, %dot_general3A_277 : vector<8x128xf32>
    %swap3A_284 = arith.constant 10 : index
    %swap3A_285 = arith.constant 0 : index
    %swap3A_286 = arith.constant 0 : index
    %swap3A_287 = vector.load %arg3[%swap3A_284, %swap3A_285, %swap3A_286] : memref<19x8x128xf32, #tpu.memory_space<vmem>>, vector<1x8x128xf32>
    %swap3A_288 = vector.shape_cast %swap3A_287 : vector<1x8x128xf32> to vector<8x128xf32>
    %swap3A_289 = vector.shape_cast %add3A_283 : vector<8x128xf32> to vector<1x8x128xf32>
    tpu.vector_store %arg3[%swap3A_284, %swap3A_285, %swap3A_286], %swap3A_289 {strides = array<i32>} : memref<19x8x128xf32, #tpu.memory_space<vmem>>, vector<1x8x128xf32>,
    %dot_general3A_290 = arith.constant dense<0.000000e+00> : vector<8x128xf32>
    %dot_general3A_291 = tpu.matmul %broadcast_in_dim3A_14, %select_n3A_81, %dot_general3A_290 {dimension_numbers = #tpu.dot_dimension_numbers<[1], [0], [0], [1], [0, 0, 1, 1], [], []>, transpose_lhs_hint = false} : vector<8x2048xf32>, vector<2048x128xf32>, vector<8x128xf32> -> vector<8x128xf32>
    %get3A_292 = arith.constant 11 : index
    %get3A_293 = arith.constant 0 : index
    %get3A_294 = arith.constant 0 : index
    %get3A_295 = vector.load %arg3[%get3A_292, %get3A_293, %get3A_294] : memref<19x8x128xf32, #tpu.memory_space<vmem>>, vector<1x8x128xf32>
    %get3A_296 = vector.shape_cast %get3A_295 : vector<1x8x128xf32> to vector<8x128xf32>
    %add3A_297 = arith.addf %get3A_296, %dot_general3A_291 : vector<8x128xf32>
    %swap3A_298 = arith.constant 11 : index
    %swap3A_299 = arith.constant 0 : index
    %swap3A_300 = arith.constant 0 : index
    %swap3A_301 = vector.load %arg3[%swap3A_298, %swap3A_299, %swap3A_300] : memref<19x8x128xf32, #tpu.memory_space<vmem>>, vector<1x8x128xf32>
    %swap3A_302 = vector.shape_cast %swap3A_301 : vector<1x8x128xf32> to vector<8x128xf32>
    %swap3A_303 = vector.shape_cast %add3A_297 : vector<8x128xf32> to vector<1x8x128xf32>
    tpu.vector_store %arg3[%swap3A_298, %swap3A_299, %swap3A_300], %swap3A_303 {strides = array<i32>} : memref<19x8x128xf32, #tpu.memory_space<vmem>>, vector<1x8x128xf32>,
    %dot_general3A_304 = arith.constant dense<0.000000e+00> : vector<8x128xf32>
    %dot_general3A_305 = tpu.matmul %broadcast_in_dim3A_14, %select_n3A_89, %dot_general3A_304 {dimension_numbers = #tpu.dot_dimension_numbers<[1], [0], [0], [1], [0, 0, 1, 1], [], []>, transpose_lhs_hint = false} : vector<8x2048xf32>, vector<2048x128xf32>, vector<8x128xf32> -> vector<8x128xf32>
    %get3A_306 = arith.constant 12 : index
    %get3A_307 = arith.constant 0 : index
    %get3A_308 = arith.constant 0 : index
    %get3A_309 = vector.load %arg3[%get3A_306, %get3A_307, %get3A_308] : memref<19x8x128xf32, #tpu.memory_space<vmem>>, vector<1x8x128xf32>
    %get3A_310 = vector.shape_cast %get3A_309 : vector<1x8x128xf32> to vector<8x128xf32>
    %add3A_311 = arith.addf %get3A_310, %dot_general3A_305 : vector<8x128xf32>
    %swap3A_312 = arith.constant 12 : index
    %swap3A_313 = arith.constant 0 : index
    %swap3A_314 = arith.constant 0 : index
    %swap3A_315 = vector.load %arg3[%swap3A_312, %swap3A_313, %swap3A_314] : memref<19x8x128xf32, #tpu.memory_space<vmem>>, vector<1x8x128xf32>
    %swap3A_316 = vector.shape_cast %swap3A_315 : vector<1x8x128xf32> to vector<8x128xf32>
    %swap3A_317 = vector.shape_cast %add3A_311 : vector<8x128xf32> to vector<1x8x128xf32>
    tpu.vector_store %arg3[%swap3A_312, %swap3A_313, %swap3A_314], %swap3A_317 {strides = array<i32>} : memref<19x8x128xf32, #tpu.memory_space<vmem>>, vector<1x8x128xf32>,
    %dot_general3A_318 = arith.constant dense<0.000000e+00> : vector<8x128xf32>
    %dot_general3A_319 = tpu.matmul %broadcast_in_dim3A_14, %select_n3A_97, %dot_general3A_318 {dimension_numbers = #tpu.dot_dimension_numbers<[1], [0], [0], [1], [0, 0, 1, 1], [], []>, transpose_lhs_hint = false} : vector<8x2048xf32>, vector<2048x128xf32>, vector<8x128xf32> -> vector<8x128xf32>
    %get3A_320 = arith.constant 13 : index
    %get3A_321 = arith.constant 0 : index
    %get3A_322 = arith.constant 0 : index
    %get3A_323 = vector.load %arg3[%get3A_320, %get3A_321, %get3A_322] : memref<19x8x128xf32, #tpu.memory_space<vmem>>, vector<1x8x128xf32>
    %get3A_324 = vector.shape_cast %get3A_323 : vector<1x8x128xf32> to vector<8x128xf32>
    %add3A_325 = arith.addf %get3A_324, %dot_general3A_319 : vector<8x128xf32>
    %swap3A_326 = arith.constant 13 : index
    %swap3A_327 = arith.constant 0 : index
    %swap3A_328 = arith.constant 0 : index
    %swap3A_329 = vector.load %arg3[%swap3A_326, %swap3A_327, %swap3A_328] : memref<19x8x128xf32, #tpu.memory_space<vmem>>, vector<1x8x128xf32>
    %swap3A_330 = vector.shape_cast %swap3A_329 : vector<1x8x128xf32> to vector<8x128xf32>
    %swap3A_331 = vector.shape_cast %add3A_325 : vector<8x128xf32> to vector<1x8x128xf32>
    tpu.vector_store %arg3[%swap3A_326, %swap3A_327, %swap3A_328], %swap3A_331 {strides = array<i32>} : memref<19x8x128xf32, #tpu.memory_space<vmem>>, vector<1x8x128xf32>,
    %dot_general3A_332 = arith.constant dense<0.000000e+00> : vector<8x128xf32>
    %dot_general3A_333 = tpu.matmul %broadcast_in_dim3A_14, %select_n3A_105, %dot_general3A_332 {dimension_numbers = #tpu.dot_dimension_numbers<[1], [0], [0], [1], [0, 0, 1, 1], [], []>, transpose_lhs_hint = false} : vector<8x2048xf32>, vector<2048x128xf32>, vector<8x128xf32> -> vector<8x128xf32>
    %get3A_334 = arith.constant 14 : index
    %get3A_335 = arith.constant 0 : index
    %get3A_336 = arith.constant 0 : index
    %get3A_337 = vector.load %arg3[%get3A_334, %get3A_335, %get3A_336] : memref<19x8x128xf32, #tpu.memory_space<vmem>>, vector<1x8x128xf32>
    %get3A_338 = vector.shape_cast %get3A_337 : vector<1x8x128xf32> to vector<8x128xf32>
    %add3A_339 = arith.addf %get3A_338, %dot_general3A_333 : vector<8x128xf32>
    %swap3A_340 = arith.constant 14 : index
    %swap3A_341 = arith.constant 0 : index
    %swap3A_342 = arith.constant 0 : index
    %swap3A_343 = vector.load %arg3[%swap3A_340, %swap3A_341, %swap3A_342] : memref<19x8x128xf32, #tpu.memory_space<vmem>>, vector<1x8x128xf32>
    %swap3A_344 = vector.shape_cast %swap3A_343 : vector<1x8x128xf32> to vector<8x128xf32>
    %swap3A_345 = vector.shape_cast %add3A_339 : vector<8x128xf32> to vector<1x8x128xf32>
    tpu.vector_store %arg3[%swap3A_340, %swap3A_341, %swap3A_342], %swap3A_345 {strides = array<i32>} : memref<19x8x128xf32, #tpu.memory_space<vmem>>, vector<1x8x128xf32>,
    %dot_general3A_346 = arith.constant dense<0.000000e+00> : vector<8x128xf32>
    %dot_general3A_347 = tpu.matmul %broadcast_in_dim3A_14, %select_n3A_113, %dot_general3A_346 {dimension_numbers = #tpu.dot_dimension_numbers<[1], [0], [0], [1], [0, 0, 1, 1], [], []>, transpose_lhs_hint = false} : vector<8x2048xf32>, vector<2048x128xf32>, vector<8x128xf32> -> vector<8x128xf32>
    %get3A_348 = arith.constant 15 : index
    %get3A_349 = arith.constant 0 : index
    %get3A_350 = arith.constant 0 : index
    %get3A_351 = vector.load %arg3[%get3A_348, %get3A_349, %get3A_350] : memref<19x8x128xf32, #tpu.memory_space<vmem>>, vector<1x8x128xf32>
    %get3A_352 = vector.shape_cast %get3A_351 : vector<1x8x128xf32> to vector<8x128xf32>
    %add3A_353 = arith.addf %get3A_352, %dot_general3A_347 : vector<8x128xf32>
    %swap3A_354 = arith.constant 15 : index
    %swap3A_355 = arith.constant 0 : index
    %swap3A_356 = arith.constant 0 : index
    %swap3A_357 = vector.load %arg3[%swap3A_354, %swap3A_355, %swap3A_356] : memref<19x8x128xf32, #tpu.memory_space<vmem>>, vector<1x8x128xf32>
    %swap3A_358 = vector.shape_cast %swap3A_357 : vector<1x8x128xf32> to vector<8x128xf32>
    %swap3A_359 = vector.shape_cast %add3A_353 : vector<8x128xf32> to vector<1x8x128xf32>
    tpu.vector_store %arg3[%swap3A_354, %swap3A_355, %swap3A_356], %swap3A_359 {strides = array<i32>} : memref<19x8x128xf32, #tpu.memory_space<vmem>>, vector<1x8x128xf32>,
    %dot_general3A_360 = arith.constant dense<0.000000e+00> : vector<8x128xf32>
    %dot_general3A_361 = tpu.matmul %broadcast_in_dim3A_14, %select_n3A_121, %dot_general3A_360 {dimension_numbers = #tpu.dot_dimension_numbers<[1], [0], [0], [1], [0, 0, 1, 1], [], []>, transpose_lhs_hint = false} : vector<8x2048xf32>, vector<2048x128xf32>, vector<8x128xf32> -> vector<8x128xf32>
    %get3A_362 = arith.constant 16 : index
    %get3A_363 = arith.constant 0 : index
    %get3A_364 = arith.constant 0 : index
    %get3A_365 = vector.load %arg3[%get3A_362, %get3A_363, %get3A_364] : memref<19x8x128xf32, #tpu.memory_space<vmem>>, vector<1x8x128xf32>
    %get3A_366 = vector.shape_cast %get3A_365 : vector<1x8x128xf32> to vector<8x128xf32>
    %add3A_367 = arith.addf %get3A_366, %dot_general3A_361 : vector<8x128xf32>
    %swap3A_368 = arith.constant 16 : index
    %swap3A_369 = arith.constant 0 : index
    %swap3A_370 = arith.constant 0 : index
    %swap3A_371 = vector.load %arg3[%swap3A_368, %swap3A_369, %swap3A_370] : memref<19x8x128xf32, #tpu.memory_space<vmem>>, vector<1x8x128xf32>
    %swap3A_372 = vector.shape_cast %swap3A_371 : vector<1x8x128xf32> to vector<8x128xf32>
    %swap3A_373 = vector.shape_cast %add3A_367 : vector<8x128xf32> to vector<1x8x128xf32>
    tpu.vector_store %arg3[%swap3A_368, %swap3A_369, %swap3A_370], %swap3A_373 {strides = array<i32>} : memref<19x8x128xf32, #tpu.memory_space<vmem>>, vector<1x8x128xf32>,
    %dot_general3A_374 = arith.constant dense<0.000000e+00> : vector<8x128xf32>
    %dot_general3A_375 = tpu.matmul %broadcast_in_dim3A_14, %select_n3A_129, %dot_general3A_374 {dimension_numbers = #tpu.dot_dimension_numbers<[1], [0], [0], [1], [0, 0, 1, 1], [], []>, transpose_lhs_hint = false} : vector<8x2048xf32>, vector<2048x128xf32>, vector<8x128xf32> -> vector<8x128xf32>
    %get3A_376 = arith.constant 17 : index
    %get3A_377 = arith.constant 0 : index
    %get3A_378 = arith.constant 0 : index
    %get3A_379 = vector.load %arg3[%get3A_376, %get3A_377, %get3A_378] : memref<19x8x128xf32, #tpu.memory_space<vmem>>, vector<1x8x128xf32>
    %get3A_380 = vector.shape_cast %get3A_379 : vector<1x8x128xf32> to vector<8x128xf32>
    %add3A_381 = arith.addf %get3A_380, %dot_general3A_375 : vector<8x128xf32>
    %swap3A_382 = arith.constant 17 : index
    %swap3A_383 = arith.constant 0 : index
    %swap3A_384 = arith.constant 0 : index
    %swap3A_385 = vector.load %arg3[%swap3A_382, %swap3A_383, %swap3A_384] : memref<19x8x128xf32, #tpu.memory_space<vmem>>, vector<1x8x128xf32>
    %swap3A_386 = vector.shape_cast %swap3A_385 : vector<1x8x128xf32> to vector<8x128xf32>
    %swap3A_387 = vector.shape_cast %add3A_381 : vector<8x128xf32> to vector<1x8x128xf32>
    tpu.vector_store %arg3[%swap3A_382, %swap3A_383, %swap3A_384], %swap3A_387 {strides = array<i32>} : memref<19x8x128xf32, #tpu.memory_space<vmem>>, vector<1x8x128xf32>,
    %dot_general3A_388 = arith.constant dense<0.000000e+00> : vector<8x128xf32>
    %dot_general3A_389 = tpu.matmul %broadcast_in_dim3A_14, %select_n3A_137, %dot_general3A_388 {dimension_numbers = #tpu.dot_dimension_numbers<[1], [0], [0], [1], [0, 0, 1, 1], [], []>, transpose_lhs_hint = false} : vector<8x2048xf32>, vector<2048x128xf32>, vector<8x128xf32> -> vector<8x128xf32>
    %get3A_390 = arith.constant 18 : index
    %get3A_391 = arith.constant 0 : index
    %get3A_392 = arith.constant 0 : index
    %get3A_393 = vector.load %arg3[%get3A_390, %get3A_391, %get3A_392] : memref<19x8x128xf32, #tpu.memory_space<vmem>>, vector<1x8x128xf32>
    %get3A_394 = vector.shape_cast %get3A_393 : vector<1x8x128xf32> to vector<8x128xf32>
    %add3A_395 = arith.addf %get3A_394, %dot_general3A_389 : vector<8x128xf32>
    %swap3A_396 = arith.constant 18 : index
    %swap3A_397 = arith.constant 0 : index
    %swap3A_398 = arith.constant 0 : index
    %swap3A_399 = vector.load %arg3[%swap3A_396, %swap3A_397, %swap3A_398] : memref<19x8x128xf32, #tpu.memory_space<vmem>>, vector<1x8x128xf32>
    %swap3A_400 = vector.shape_cast %swap3A_399 : vector<1x8x128xf32> to vector<8x128xf32>
    %swap3A_401 = vector.shape_cast %add3A_395 : vector<8x128xf32> to vector<1x8x128xf32>
    tpu.vector_store %arg3[%swap3A_396, %swap3A_397, %swap3A_398], %swap3A_401 {strides = array<i32>} : memref<19x8x128xf32, #tpu.memory_space<vmem>>, vector<1x8x128xf32>,
    return
  }
  func.func @transform_0(%arg0: i32) -> (i32, i32) {
    %add3A = arith.constant 1 : i32
    %add3A_0 = arith.addi %arg0, %add3A : i32
    %c0_i32 = arith.constant 0 : i32
    %c0_i32_1 = arith.constant 0 : i32
    return %add3A_0, %c0_i32 : i32, i32
  }
  func.func @transform_1(%arg0: i32) -> (i32, i32) {
    %add3A = arith.constant 1 : i32
    %add3A_0 = arith.addi %arg0, %add3A : i32
    %c0_i32 = arith.constant 0 : i32
    %c0_i32_1 = arith.constant 0 : i32
    return %add3A_0, %c0_i32 : i32, i32
  }
  func.func @transform_2(%arg0: i32) -> (i32, i32, i32) {
    %c0_i32 = arith.constant 0 : i32
    %c0_i32_0 = arith.constant 0 : i32
    %c0_i32_1 = arith.constant 0 : i32
    %c0_i32_2 = arith.constant 0 : i32
    return %c0_i32, %c0_i32_0, %c0_i32_1 : i32, i32, i32
  }
}

</mosaic_0001>

<sc_bundles>
// kernel: kernel.5.cloned.1.call-start
scs
__scs_entry_jumppad:
0x0: {  	(pc) =	sbr.rel $0x88, $3  }
0x1: {  	(tag) =	ssettag $0x0;
	lr =	simm.s32 $0x1  }
0x2: {  	[smem:$0x3F9F] =	sst lr;
	_ =	strace $0xD0000000  }
0x3: {  	_ = 	snop  }
0x4: {  	_ = 	snop  }
0x5: {  	_ = 	snop  }
0x6: {  	_ = 	snop  }
0x7: {  	_ = 	snop  }
__scs_overlays_trampoline_lowered:
0x8: {  	[smem:$0x3FAE] =	sst s0  }
0x9: {  	[smem:$0x3FAF] =	sst s1  }
0xa: {  	[smem:$0x3FB0] =	sst s2  }
0xb: {  	[smem:$0x3FB1] =	sst s3  }
0xc: {  	[smem:$0x3FB2] =	sst s4  }
0xd: {  	[smem:$0x3FB3] =	sst s5  }
0xe: {  	[smem:$0x3FB4] =	sst s6  }
0xf: {  	[smem:$0x3FB5] =	sst s7  }
0x10: {  	[smem:$0x3FB6] =	sst s8  }
0x11: {  	[smem:$0x3FB7] =	sst s9;
	s0 =	simm.s32 @!p0 $0x0  }
0x12: {  	s1 =	sld [smem:$0x3F9D];
	s0 =	simm.s32 @p0 $0x1  }
0x13: {  	[smem:$0x3FB8] =	sst s0;
	s0 =	simm.s32 @!p1 $0x0  }
0x14: {  	s2 =	sld [smem:$0x3F9C];
	s0 =	simm.s32 @p1 $0x1  }
0x15: {  	[smem:$0x3FB9] =	sst s0;
	s0 =	simm.s32 @!p2 $0x0  }
0x16: {  	s3 =	sld [smem:$0x3FDB];
	s0 =	simm.s32 @p2 $0x1  }
0x17: {  	s4 =	simm.s32 $0x1BF5;
	[smem:$0x3FBB] =	sst s0  }
0x18: {  	s0 =	sld [smem:$0x3F9E];
	_ =	swait.ge [sflag:s4], $0x0  }
0x19: {  	s7 =	sld [smem:$0x3F9F]  }
0x1a: {  	s8 =	sadd.s32 $0xFFFFE003, lr  }
0x1b: {  	s9 =	sadd.s32 $0xFFFFFEF7, lr;
	s5 =	simm.s32 $0xFFFFFFFF;
	p2 =	slt.u32 s8, $0xFFFFF086  }
0x1c: {  	p1 =	slt.u32 s9, $0xF7A;
	s5 =	simm.s32 @!p2 $0x0  }
0x1d: {  	s5 =	simm.s32 @p1 $0x1;
	p0 =	seq.s32 s7, s2  }
0x1e: {  	s7 =	smul.u32 @!p0 $0xF7A, s2;
	p2 =	seq.s32 @!p0 s5, $0x0  }
0x1f: {  	s9 =	smul.u32 $0xF7A, s1;
	s8 =	simm.s32 @!p0 $0x1BF5;
	p2 =	por !p2, p0  }
0x20: {  	[sflag:s8] =	ssyncset.s32 @!p0 $0xFFFFF086;
	s6 =	sadd.s32 @!p0 s3, s7;
	s7 =	simm.s32 @!p0 $0x108  }
0x21: {  	s3 =	sadd.s32 s3, s9;
	s6 =	sadd.s32 @!p0 $0x88, s6;
	s7 =	simm.s32 @p2 $0x1082  }
0x22: {  	[simem:s7], [sflag:s8] =	dma.local @!p0 [hbm:s6], $0xF7A  }
0x23: {  	s9 =	sor.u32 $0xD0000000, s2;
	s6 =	simm.s32 $0x108;
	_ =	swait.ge @!p0 [sflag:s8], $0x0  }
0x24: {  	s3 =	sadd.s32 $0x88, s3;
	s6 =	simm.s32 @!p1 $0x1082;
	[sflag:s4] =	ssyncset.s32 $0xFFFFF086  }
0x25: {  	[simem:s6], [sflag:s4] =	dma.local [hbm:s3], $0xF7A  }
0x26: {  	[smem:$0x3F9F] =	sst s1;
	(tag) =	ssettag s2;
	_ =	strace s9  }
0x27: {  	s1 =	sld [smem:$0x3FAF]  }
0x28: {  	s2 =	sld [smem:$0x3FB0]  }
0x29: {  	s4 =	sld [smem:$0x3FB2]  }
0x2a: {  	p0 =	seq.s32 s5, $0x0;
	s5 =	sld [smem:$0x3FB3]  }
0x2b: {  	s6 =	sld [smem:$0x3FB4]  }
0x2c: {  	s7 =	sld [smem:$0x3FB5]  }
0x2d: {  	s3 =	simm.s32 $0x108;
	s8 =	sld [smem:$0x3FB6]  }
0x2e: {  	s3 =	simm.s32 @!p0 $0x1082;
	s9 =	sld [smem:$0x3FB7]  }
0x2f: {  	lr =	sadd.s32 s0, s3;
	s0 =	sld [smem:$0x3FAE]  }
0x30: {  	s3 =	sld [smem:$0x3FB1]  }
0x31: {  	[smem:$0x3FBA] =	sst s10  }
0x32: {  	s10 =	sld [smem:$0x3FB8];
	_ =	sdelay $0x3  }
0x33: {  	p0 =	seq.s32 s10, $0x1;
	s10 =	sld [smem:$0x3FBA];
	_ =	sdelay $0x3  }
0x34: {  	[smem:$0x3FBA] =	sst s10  }
0x35: {  	s10 =	sld [smem:$0x3FB9];
	_ =	sdelay $0x3  }
0x36: {  	p1 =	seq.s32 s10, $0x1;
	s10 =	sld [smem:$0x3FBA];
	_ =	sdelay $0x3  }
0x37: {  	[smem:$0x3FBA] =	sst s10  }
0x38: {  	s10 =	sld [smem:$0x3FBB]  }
0x39: {  	_ = 	snop;
	(pc) =	sbr.ind lr, $3  }
0x3a: {  	_ = 	snop  }
0x3b: {  	_ = 	snop  }
0x3c: {  	p2 =	seq.s32 s10, $0x1;
	s10 =	sld [smem:$0x3FBA]  }
0x3d: {  	_ =	shalt  }
0x3e: {  	_ =	shalt  }
0x3f: {  	_ =	shalt  }
0x40: {  	_ =	shalt  }
0x41: {  	_ =	shalt  }
0x42: {  	_ =	shalt  }
0x43: {  	_ =	shalt  }
0x44: {  	_ =	shalt  }
0x45: {  	_ =	shalt  }
0x46: {  	_ =	shalt  }
0x47: {  	_ =	shalt  }
0x48: {  	_ =	shalt  }
0x49: {  	_ =	shalt  }
0x4a: {  	_ =	shalt  }
0x4b: {  	_ =	shalt  }
0x4c: {  	_ =	shalt  }
0x4d: {  	_ =	shalt  }
0x4e: {  	_ =	shalt  }
0x4f: {  	_ =	shalt  }
0x50: {  	_ =	shalt  }
0x51: {  	_ =	shalt  }
0x52: {  	_ =	shalt  }
0x53: {  	_ =	shalt  }
0x54: {  	_ =	shalt  }
0x55: {  	_ =	shalt  }
0x56: {  	_ =	shalt  }
0x57: {  	_ =	shalt  }
0x58: {  	_ =	shalt  }
0x59: {  	_ =	shalt  }
0x5a: {  	_ =	shalt  }
0x5b: {  	_ =	shalt  }
0x5c: {  	_ =	shalt  }
0x5d: {  	_ =	shalt  }
0x5e: {  	_ =	shalt  }
0x5f: {  	_ =	shalt  }
0x60: {  	_ =	shalt  }
0x61: {  	_ =	shalt  }
0x62: {  	_ =	shalt  }
0x63: {  	_ =	shalt  }
0x64: {  	_ =	shalt  }
0x65: {  	_ =	shalt  }
0x66: {  	_ =	shalt  }
0x67: {  	_ =	shalt  }
0x68: {  	_ =	shalt  }
0x69: {  	_ =	shalt  }
0x6a: {  	_ =	shalt  }
0x6b: {  	_ =	shalt  }
0x6c: {  	_ =	shalt  }
0x6d: {  	_ =	shalt  }
0x6e: {  	_ =	shalt  }
0x6f: {  	_ =	shalt  }
0x70: {  	_ =	shalt  }
0x71: {  	_ =	shalt  }
0x72: {  	_ =	shalt  }
0x73: {  	_ =	shalt  }
0x74: {  	_ =	shalt  }
0x75: {  	_ =	shalt  }
0x76: {  	_ =	shalt  }
0x77: {  	_ =	shalt  }
0x78: {  	_ =	shalt  }
0x79: {  	_ =	shalt  }
0x7a: {  	_ =	shalt  }
0x7b: {  	_ =	shalt  }
0x7c: {  	_ =	shalt  }
0x7d: {  	_ =	shalt  }
0x7e: {  	_ =	shalt  }
0x7f: {  	_ =	shalt  }
0x80: {  	_ =	shalt  }
0x81: {  	_ =	shalt  }
0x82: {  	_ =	shalt  }
0x83: {  	_ =	shalt  }
0x84: {  	_ =	shalt  }
0x85: {  	_ =	shalt  }
0x86: {  	_ =	shalt  }
0x87: {  	_ =	shalt  }
.Lfunc_end0:
.L_simem_size_0:
called_computation_lowered:
.L_overlay_start_0:
0x88: {  	s2 =	sld [smem:$0x3FD9]  }
0x89: {  	s3 =	sld [smem:$0x3FFE];
	_ =	sdelay $0x1  }
0x8a: {  	s1 =	srdreg.scid  }
0x8b: {  	s0 =	sand.u32 $0x1, s1  }
0x8c: {  	s17 =	sshll.u32 s0, $0xA;
	s2 =	sadd.s32 s3, s2  }
0x8d: {  	s2 =	sadd.s32 s2, s17  }
0x8e: {  	[smem:$0x3FC6] =	sst s2  }
0x8f: {  	_ = 	snop  }
0x90: {  	s2 =	sld [smem:$0x3FC9]  }
0x91: {  	s18 =	sld [smem:$0x3FC8];
	(tm) =	ssettm $0x1  }
0x92: {  	s4 =	sld [smem:$0x3FFB];
	_ =	sdelay $0x3  }
0x93: {  	_ =	strace s4  }
0x94: {  	s4 =	sld [smem:$0x3FFC];
	_ =	sdelay $0x3  }
0x95: {  	_ =	strace s4  }
0x96: {  	s4 =	sld [smem:$0x3FFD];
	_ =	sdelay $0x3  }
0x97: {  	_ =	strace s4  }
0x98: {  	_ =	strace $0x8FFFFFFF  }
0x99: {  	s19 =	sld [smem:$0x3FDB];
	_ =	sdelay $0x1  }
0x9a: {  	s5 =	simm.s32 $_scs_section_size  }
0x9b: {  	s6 =	simm.s32 $_size__tile_overlayer_lowered;
	s7 =	simm.s32 $_tile_overlayer_lowered  }
0x9c: {  	s22 =	simm.s32 $0x1BFF;
	s21 =	sshll.u32 s7, $0x1;
	s4 =	sadd.s32 s5, s19  }
0x9d: {  	s8 =	simm.s32 $0x0;
	s20 =	sshll.u32 s6, $0x1;
	s6 =	sadd.s32 s21, s4  }
0x9e: {  	[timem:s8], [sflag:s22] =	dma.local [hbm:s6], s20  }
0x9f: {  	_ =	swait.ge [sflag:s22], s20  }
0xa0: {  	s5 =	ssub.s32 $0x0, s20;
	[sflag:s22] =	ssyncset.done $0x0  }
0xa1: {  	[sflag:s22] =	ssyncadd.s32 s5;
	_ =	sdelay $0x1  }
0xa2: {  	s23 =	simm.s32 $0x1B8B  }
0xa3: {  	_ =	swait.ge [sflag:s23], $0x1  }
0xa4: {  	[sflag:s23] =	ssyncset.done $0x0  }
0xa5: {  	s25 =	simm.s32 $0x1B8E;
	s24 =	sld [smem:$0x3FFE];
	[sflag:s23] =	ssyncadd.s32 $0xFFFFFFFF  }
0xa6: {  	s26 =	simm.s32 $execute0_lowered;
	[smem:$0x3FD2] =	sst s25  }
0xa7: {  	s6 =	sshll.u32 s26, $0x1;
	_ =	strace $0x80000046;
	[dreg:$0x1] =	wrdreg $0xFFFFFFFF  }
0xa8: {  	s28 =	simm.s32 $_size_execute0_lowered;
	s4 =	sadd.s32 s4, s6;
	[dreg:$0x0] =	wrdreg $0x0  }
0xa9: {  	s6 =	sshll.u32 s28, $0x1;
	[dreg:$0x2] =	wrdreg s4  }
0xaa: {  	[dreg:$0x3] =	wrdreg s6  }
0xab: {  	[dreg:$0x4] =	wrdreg $0xC0  }
0xac: {  	_ =	task [dreg:s8], $0x5FFFF  }
0xad: {  	[dreg:$0x1] =	wrdreg $0xFFFFFFFF  }
0xae: {  	[dreg:$0x0] =	wrdreg $0x60  }
0xaf: {  	[dreg:$0x2] =	wrdreg s2  }
0xb0: {  	[dreg:$0x3] =	wrdreg s18  }
0xb1: {  	[dreg:$0x4] =	wrdreg s24  }
0xb2: {  	[dreg:$0x5] =	wrdreg $0x9  }
0xb3: {  	_ =	task.clear_ibuf [dreg:s8], $0x6FFFF;
	_ =	strace $0x90000046  }
0xb4: {  	s29 =	simm.s32 $0x9;
	_ =	strace $0x80000048  }
0xb5: {  	_ =	swait.ge [sflag:s29], $0x1  }
0xb6: {  	[sflag:s29] =	ssyncadd.s32 $0xFFFFFFFF  }
0xb7: {  	_ =	strace $0x90000048  }
0xb8: {  	_ =	sfence  }
0xb9: {  	s30 =	sld [smem:$0x0];
	_ =	sdelay $0x2  }
0xba: {  	s31 =	sshll.u32 s1, $0xD;
	s1 =	sshrl.u32 s1, $0x2  }
0xbb: {  	s3 =	sand.u32 $0x4000, s31;
	s1 =	sadd.s32 s1, s30  }
0xbc: {  	s0 =	sor.u32 s3, s0;
	s1 =	sshll.u32 s1, $0x11  }
0xbd: {  	s0 =	sor.u32 s1, s0  }
0xbe: {  	s0 =	sadd.s32 $0x8F2B, s0  }
0xbf: {  	[sflag:s0] =	ssyncadd.remote.s32 $0x1  }
0xc0: {  	_ =	sfence.sel $0xFFFF  }
0xc1: {  	[dreg:$0x0] =	wrdreg $0xFFFFFFFF;
	(pc) =	sbr.abs _section_cstart, $3  }
0xc2: {  	[dreg:$0x1] =	wrdreg $0xFFFFFFFF  }
0xc3: {  	_ =	task.clear_ibuf [dreg:s8], $0x2FFFF;
	_ =	strace $0x9FFFFFFF  }
0xc4: {  	(tm) =	ssettm $0x7FFFFFFF  }
0xc5: {  	_ =	shalt  }
tec
execute0_lowered:
.L_overlay_start_1:
0x0: {  	(tag) =	ssettag $0x1  }
0x1: {  	s3 =	rddreg [dreg:$0x0]  }
0x2: {  	s4 =	rddreg [dreg:$0x1];
	s1 =	srdreg.scid  }
0x3: {  	s0 =	stileid.u32;
	s5 =	rddreg [dreg:$0x2]  }
0x4: {  	s2 =	simm.s32 $0x0;
	s9 =	simm.s32 $0x4000;
	s10 =	simm.s32 $0x0  }
0x5: {  	s6 =	sand.u32 $0x1, s1;
	s7 =	sshll.u32 s0, $0x1;
	s1 =	rddreg [dreg:$0x3]  }
0x6: {  	[smem:$0x7FF] =	sst s2;
	s7 =	sor.u32 s6, s7;
	s6 =	ssub.s32 $0x2, s6  }
0x7: {  	s8 =	smul.u32 $0x180, s7;
	s31 =	sshrl.u32 s6, $0x1;
	s7 =	sshll.u32 s7, $0xA  }
0x8: {  	_ =	strace $0x80000047;
	s6 =	ssub.s32 s6, s31;
	s3 =	sadd.s32 s3, s7  }
0x9: {  	s4 =	sadd.s32 s4, s7;
	s7 =	simm.s32 $0x1;
	s5 =	sadd.s32 s8, s5  }
0xa: {  	v0 =	vimm.f32 $0.0e+00;
	s6 =	smax.u32 s6, $0x1;
	s8 =	simm.s32 $0x2000;
	s5 =	sadd.s32 $0x600, s5  }
.LBB2_1:
0xb: {  	[tilespmem:s2], [sflag:$0x1] =	stream.linear.gather [hbm4b:s3+s2], $0x2000, $0x38;
	[tilespmem:$0x4C00] =	vst v63  }
0xc: {  	_ =	swait.ge [sflag:s7], $0x2000  }
0xd: {  	[sflag:s7] =	ssyncset.done $0x0  }
0xe: {  	[sflag:s7] =	ssyncadd.s32 $0xFFFFE000  }
0xf: {  	[tilespmem:s8], [sflag:$0x1] =	stream.linear.gather [hbm4b:s4+s2], $0x2000, $0x38;
	[tilespmem:$0x4C00] =	vst v63  }
0x10: {  	_ =	swait.ge [sflag:s7], $0x2000  }
0x11: {  	[sflag:s7] =	ssyncset.done $0x0  }
0x12: {  	s11 =	simm.s32 $0x0;
	[sflag:s7] =	ssyncadd.s32 $0xFFFFE000  }
0x13: {  	v1 =	vld [tilespmem:s11+$0x0]  }
0x14: {  	v2 =	vld [tilespmem:s11+$0x2000];
	_ =	sdelay $0x3  }
0x15: {  	v3 =	vsub.f32 $0.0e+00, v1  }
0x16: {  	vm0 =	veq.s32 v2, $0x0  }
0x17: {  	v7 =	vsel vm0, v1, v3  }
0x18: {  	v1 =	vand.u32 $0x7FFFFFFF, v7  }
0x19: {  	v1 =	vsub.f32 $0.0e+00, v1;
	_ =	sdelay $0x1  }
0x1a: {  	v1 =	vmul.f32 $1.442695020e+00, v1;
	_ =	sdelay $0x1  }
0x1b: {  	(erf) = vpow2.f32 v1;
	_ =	sdelay $0x8  }
0x1c: {  	v1 =	vpop (erf)  }
0x1d: {  	v2 =	vadd.f32 $2.000000000e+00, v1  }
0x1e: {  	s30 =	simm.s32 $0x10  }
0x1f: {  	v3 =	vld [tilespmem:s30+$0x0];
	(erf) = vrcp.f32 v2  }
0x20: {  	v2 =	vld [tilespmem:s30+$0x2000];
	_ =	sdelay $0x3  }
0x21: {  	v4 =	vsub.f32 $0.0e+00, v3  }
0x22: {  	vm9 =	veq.s32 v2, $0x0  }
0x23: {  	v13 =	vsel vm9, v3, v4  }
0x24: {  	v2 =	vand.u32 $0x7FFFFFFF, v13  }
0x25: {  	vm10 =	vge.f32 v7, $-2.197224620e+00;
	vm1 =	vge.f32 v7, $-1.386294360e+00;
	v2 =	vsub.f32 $0.0e+00, v2;
	v3 =	vpop (erf)  }
0x26: {  	vm2 =	vge.f32 v7, $-8.472977870e-01;
	vm3 =	vge.f32 v7, $-4.054650960e-01;
	v1 =	vmul.f32 v3, v1  }
0x27: {  	vm4 =	vge.f32 v7, $0.0e+00;
	vm5 =	vge.f32 v7, $4.054652150e-01;
	v2 =	vmul.f32 $1.442695020e+00, v2  }
0x28: {  	vm6 =	vge.f32 v7, $8.472977870e-01;
	vm11 =	vge.f32 v7, $1.386294480e+00;
	v3 =	vmul.f32 v1, v1  }
0x29: {  	v11 =	vsel vm10, $0x3F800000, v0;
	v14 =	vsel vm1, $0x3F800000, v0;
	(erf) = vpow2.f32 v2  }
0x2a: {  	v30 =	vsel vm2, $0x3F800000, v0;
	v31 =	vsel vm3, $0x3F800000, v0;
	v2 =	vmul.f32 $1.111111120e-01, v3  }
0x2b: {  	v32 =	vsel vm4, $0x3F800000, v0;
	v33 =	vsel vm5, $0x3F800000, v0;
	v5 =	vadd.f32 v14, v0  }
0x2c: {  	v39 =	vsel vm6, $0x3F800000, v0;
	v6 =	vadd.f32 v30, v0;
	v2 =	vadd.f32 $1.428571490e-01, v2  }
0x2d: {  	v42 =	vsel vm11, $0x3F800000, v0;
	v8 =	vadd.f32 v31, v0;
	v9 =	vadd.f32 v32, v0  }
0x2e: {  	v10 =	vadd.f32 v33, v0;
	v12 =	vadd.f32 v39, v0;
	v2 =	vmul.f32 v2, v3  }
0x2f: {  	v18 =	vadd.f32 v42, v0;
	v4 =	vadd.f32 v11, v0  }
0x30: {  	vm12 =	vge.f32 v13, $-2.197224620e+00;
	vm13 =	vge.f32 v13, $-1.386294360e+00;
	v2 =	vadd.f32 $2.000000030e-01, v2  }
0x31: {  	s31 =	simm.s32 $0x20;
	vm14 =	vge.f32 v13, $-8.472977870e-01;
	vm15 =	vge.f32 v13, $-4.054650960e-01;
	vm9 =	vge.f32 v13, $0.0e+00  }
0x32: {  	v22 =	vld [tilespmem:s31+$0x2000];
	vm10 =	vge.f32 v13, $4.054652150e-01;
	vm11 =	vge.f32 v13, $8.472977870e-01;
	v19 =	vpop (erf);
	v2 =	vmul.f32 v2, v3  }
0x33: {  	v23 =	vsel vm12, $0x3F800000, v0;
	vm12 =	vge.f32 v13, $1.386294480e+00;
	v15 =	vadd.f32 $2.000000000e+00, v19  }
0x34: {  	v16 =	vld [tilespmem:s31+$0x0];
	v26 =	vsel vm13, $0x3F800000, v0;
	v27 =	vsel vm14, $0x3F800000, v0;
	v2 =	vadd.f32 $3.333333430e-01, v2  }
0x35: {  	v20 =	vsel vm15, $0x3F800000, v0;
	v21 =	vsel vm9, $0x3F800000, v0;
	(erf) = vrcp.f32 v15  }
0x36: {  	v24 =	vsel vm10, $0x3F800000, v0;
	v35 =	vadd.f32 v23, v4;
	v2 =	vmul.f32 v2, v3  }
0x37: {  	vm13 =	veq.s32 v22, $0x0;
	v28 =	vadd.f32 v26, v5;
	v5 =	vadd.f32 v27, v6  }
0x38: {  	vm14 =	vge.f32 v7, $2.197224380e+00;
	v1 =	vadd.f32 v1, v1;
	v2 =	vadd.f32 $1.000000000e+00, v2  }
0x39: {  	v17 =	vsel vm12, $0x3F800000, v0;
	v3 =	vadd.f32 v20, v8;
	v8 =	vsub.f32 $0.0e+00, v16  }
0x3a: {  	v6 =	vadd.f32 v21, v9;
	v4 =	vadd.f32 v24, v10;
	v9 =	vmul.f32 v2, v1  }
0x3b: {  	v10 =	vmax.f32 v7, $0.0e+00;
	v7 =	vsel vm14, $0x3F800000, v0;
	v16 =	vsel vm13, v16, v8  }
0x3c: {  	v15 =	vsel vm11, $0x3F800000, v0;
	v8 =	vand.u32 $0x7FFFFFFF, v16;
	vm15 =	vge.f32 v16, $-2.197224620e+00  }
0x3d: {  	vm9 =	vge.f32 v16, $-1.386294360e+00;
	vm10 =	vge.f32 v16, $-8.472977870e-01;
	vm11 =	vge.f32 v16, $-4.054650960e-01  }
0x3e: {  	vm12 =	vge.f32 v16, $0.0e+00;
	v8 =	vsub.f32 $0.0e+00, v8;
	v43 =	vadd.f32 v9, v10;
	v9 =	vpop (erf)  }
0x3f: {  	vm13 =	vge.f32 v16, $4.054652150e-01;
	vm14 =	vge.f32 v16, $8.472977870e-01;
	v38 =	vmul.f32 v9, v19  }
0x40: {  	v2 =	vadd.f32 v15, v12;
	v1 =	vadd.f32 v17, v18;
	v8 =	vmul.f32 $1.442695020e+00, v8  }
0x41: {  	v22 =	vsel vm9, $0x3F800000, v0;
	v12 =	vsel vm10, $0x3F800000, v0;
	v40 =	vmul.f32 v38, v38  }
0x42: {  	v25 =	vsel vm14, $0x3F800000, v0;
	(erf) = vpow2.f32 v8;
	v37 =	vmul.f32 v43, v11  }
0x43: {  	v10 =	vsel vm12, $0x3F800000, v0;
	v14 =	vmul.f32 v43, v14;
	v8 =	vmul.f32 $1.111111120e-01, v40  }
0x44: {  	v29 =	vadd.f32 v43, v0;
	v30 =	vmul.f32 v43, v30;
	v31 =	vmul.f32 v43, v31  }
0x45: {  	v32 =	vmul.f32 v43, v32;
	v33 =	vmul.f32 v43, v33;
	v36 =	vadd.f32 $1.428571490e-01, v8  }
0x46: {  	v39 =	vmul.f32 v43, v39;
	v42 =	vmul.f32 v43, v42;
	v19 =	vsel vm15, $0x3F800000, v0  }
0x47: {  	v9 =	vmul.f32 v43, v7;
	v11 =	vadd.f32 v19, v35;
	v41 =	vmul.f32 v36, v40  }
0x48: {  	vm15 =	vge.f32 v16, $1.386294480e+00;
	v35 =	vadd.f32 v30, v0;
	v30 =	vadd.f32 v31, v0  }
0x49: {  	v18 =	vsel vm15, $0x3F800000, v0;
	v31 =	vadd.f32 v32, v0;
	v44 =	vadd.f32 $2.000000030e-01, v41  }
0x4a: {  	v32 =	vadd.f32 v33, v0;
	v33 =	vadd.f32 v39, v0;
	v39 =	vimm.f32 $0.0e+00  }
0x4b: {  	v36 =	vadd.f32 v37, v0;
	v37 =	vadd.f32 v14, v0;
	v41 =	vpop (erf);
	v14 =	vmul.f32 v44, v40  }
0x4c: {  	v34 =	vadd.f32 v9, v0;
	v9 =	vsel vm11, $0x3F800000, v0;
	v44 =	vadd.f32 $2.000000000e+00, v41  }
0x4d: {  	s12 =	simm.s32 $0x30;
	s11 =	simm.s32 $0x100;
	v8 =	vsel vm13, $0x3F800000, v0;
	v43 =	vadd.f32 $3.333333430e-01, v14;
	v14 =	vimm.f32 $0.0e+00  }
.LBB2_2:
0x4e: {  	p0 =	sne.s32 s11, $0x7FC0;
	v45 =	vld [tilespmem:s12+$0x0];
	v28 =	vadd.f32 v22, v28;
	(erf) = vrcp.f32 v44;
	v39 =	vadd.f32 v42, v39;
	v42 =	vmovc v15;
	v15 =	vmovc v25  }
0x4f: {  	v5 =	vadd.f32 v12, v5;
	v3 =	vadd.f32 v9, v3;
	v25 =	vld [tilespmem:s12+$0x2000];
	v40 =	vmul.f32 v43, v40;
	v43 =	vmovc v17  }
0x50: {  	v6 =	vadd.f32 v10, v6;
	v4 =	vadd.f32 v8, v4;
	v17 =	vmov v18  }
0x51: {  	v18 =	vadd.f32 v38, v38;
	v38 =	vadd.f32 $1.000000000e+00, v40  }
0x52: {  	v2 =	vadd.f32 v15, v2;
	v1 =	vadd.f32 v17, v1  }
0x53: {  	v14 =	vadd.f32 v7, v14;
	v40 =	vsub.f32 $0.0e+00, v45;
	v18 =	vmul.f32 v38, v18  }
0x54: {  	v7 =	vmax.f32 v13, $0.0e+00;
	vm0 =	veq.s32 v25, $0x0  }
0x55: {  	vm1 =	vge.f32 v13, $2.197224380e+00;
	v13 =	vmovc v16;
	v44 =	vadd.f32 v18, v7;
	v16 =	vsel vm0, v45, v40  }
0x56: {  	v7 =	vsel vm1, $0x3F800000, v0;
	v18 =	vand.u32 $0x7FFFFFFF, v16;
	vm0 =	vge.f32 v16, $-2.197224620e+00  }
0x57: {  	vm1 =	vge.f32 v16, $-1.386294360e+00;
	v18 =	vsub.f32 $0.0e+00, v18;
	v25 =	vpop (erf);
	v40 =	vmul.f32 v44, v7  }
0x58: {  	vm2 =	vge.f32 v16, $-8.472977870e-01;
	vm3 =	vge.f32 v16, $-4.054650960e-01;
	v38 =	vmul.f32 v25, v41  }
0x59: {  	vm4 =	vge.f32 v16, $0.0e+00;
	v18 =	vmul.f32 $1.442695020e+00, v18;
	v34 =	vadd.f32 v40, v34  }
0x5a: {  	vm5 =	vge.f32 v16, $4.054652150e-01;
	vm6 =	vge.f32 v16, $8.472977870e-01;
	v40 =	vmul.f32 v38, v38  }
0x5b: {  	v41 =	vsel vm0, $0x3F800000, v0;
	vm0 =	vge.f32 v16, $1.386294480e+00;
	(erf) = vpow2.f32 v18  }
0x5c: {  	v45 =	vsel vm1, $0x3F800000, v0;
	v46 =	vsel vm2, $0x3F800000, v0;
	v47 =	vmul.f32 $1.111111120e-01, v40  }
0x5d: {  	v48 =	vsel vm3, $0x3F800000, v0;
	v49 =	vsel vm4, $0x3F800000, v0;
	v50 =	vsel vm5, $0x3F800000, v0  }
0x5e: {  	v25 =	vsel vm6, $0x3F800000, v0;
	v18 =	vsel vm0, $0x3F800000, v0;
	v47 =	vadd.f32 $1.428571490e-01, v47  }
0x5f: {  	v29 =	vadd.f32 v44, v29;
	v51 =	vmul.f32 v44, v23;
	v52 =	vmul.f32 v44, v26;
	v23 =	vmovc v19  }
0x60: {  	v53 =	vmul.f32 v44, v27;
	v11 =	vadd.f32 v41, v11;
	v19 =	vmovc v41;
	v47 =	vmul.f32 v47, v40  }
0x61: {  	v20 =	vmul.f32 v44, v20;
	v21 =	vmul.f32 v44, v21;
	v26 =	vmovc v22;
	v36 =	vadd.f32 v51, v36  }
.Ltmp0:
0x62: {  	v24 =	vmul.f32 v44, v24;
	v27 =	vmovc v12;
	v22 =	vmovc v45;
	v51 =	vmul.f32 v44, v42;
	v47 =	vadd.f32 $2.000000030e-01, v47;
	(pc) =	sbr.rel @p0 .LBB2_2-.Ltmp0, $4  }
0x63: {  	v12 =	vmovc v46;
	v37 =	vadd.f32 v52, v37;
	v35 =	vadd.f32 v53, v35;
	v42 =	vmul.f32 v44, v43  }
0x64: {  	v30 =	vadd.f32 v20, v30;
	v31 =	vadd.f32 v21, v31;
	v41 =	vpop (erf);
	v43 =	vmul.f32 v47, v40  }
0x65: {  	v32 =	vadd.f32 v24, v32;
	v20 =	vmovc v9;
	v9 =	vmovc v48;
	v21 =	vmov v10;
	v44 =	vadd.f32 $2.000000000e+00, v41  }
0x66: {  	s12 =	sshra.s32 s11, $0x2;
	s11 =	sadd.s32 $0x40, s11;
	v33 =	vadd.f32 v51, v33;
	v10 =	vmovc v49;
	v24 =	vmovc v8;
	v8 =	vmov v50;
	v43 =	vadd.f32 $3.333333430e-01, v43  }
0x67: {  	v45 =	vld [tilespmem:s12+$0x0]  }
0x68: {  	v46 =	vld [tilespmem:s12+$0x2000];
	_ =	sdelay $0x3  }
0x69: {  	v47 =	vsub.f32 $0.0e+00, v45  }
0x6a: {  	vm0 =	veq.s32 v46, $0x0  }
0x6b: {  	v45 =	vsel vm0, v45, v47  }
0x6c: {  	v59 =	vand.u32 $0x7FFFFFFF, v45  }
0x6d: {  	v46 =	vsub.f32 $0.0e+00, v59;
	_ =	sdelay $0x1  }
0x6e: {  	v46 =	vmul.f32 $1.442695020e+00, v46  }
0x6f: {  	(erf) = vrcp.f32 v44  }
0x70: {  	(erf) = vpow2.f32 v46;
	_ =	sdelay $0x7  }
0x71: {  	v44 =	vpop (erf)  }
0x72: {  	v38 =	vadd.f32 v38, v38;
	v46 =	vpop (erf)  }
0x73: {  	v28 =	vadd.f32 v22, v28;
	v60 =	vadd.f32 $2.000000000e+00, v46  }
0x74: {  	v39 =	vadd.f32 v42, v39;
	v63 =	vmax.f32 v13, $0.0e+00;
	vm11 =	vge.f32 v13, $2.197224380e+00  }
0x75: {  	v5 =	vadd.f32 v12, v5;
	v40 =	vmul.f32 v43, v40;
	(erf) = vrcp.f32 v60  }
0x76: {  	v54 =	vmax.f32 v16, $0.0e+00;
	v3 =	vadd.f32 v9, v3;
	v6 =	vadd.f32 v10, v6  }
0x77: {  	v4 =	vadd.f32 v8, v4;
	v40 =	vadd.f32 $1.000000000e+00, v40;
	v41 =	vmul.f32 v44, v41  }
0x78: {  	vm14 =	vge.f32 v16, $2.197224380e+00;
	v7 =	vadd.f32 v7, v14;
	v2 =	vadd.f32 v25, v2  }
0x79: {  	v38 =	vmul.f32 v40, v38;
	v40 =	vsel vm11, $0x3F800000, v0;
	v61 =	vmul.f32 v41, v41  }
0x7a: {  	v1 =	vadd.f32 v18, v1;
	v16 =	vsel vm14, $0x3F800000, v0;
	v7 =	vadd.f32 v40, v7  }
0x7b: {  	v38 =	vadd.f32 v38, v63;
	vm1 =	vge.f32 v45, $-2.197224620e+00;
	v62 =	vmul.f32 $1.111111120e-01, v61  }
0x7c: {  	vm12 =	vge.f32 v45, $-1.386294360e+00;
	vm2 =	vge.f32 v45, $-8.472977870e-01;
	vm3 =	vge.f32 v45, $-4.054650960e-01  }
0x7d: {  	vm4 =	vge.f32 v45, $0.0e+00;
	vm5 =	vge.f32 v45, $4.054652150e-01;
	v47 =	vadd.f32 $1.428571490e-01, v62  }
0x7e: {  	vm6 =	vge.f32 v45, $8.472977870e-01;
	v49 =	vmul.f32 v38, v40;
	v23 =	vmul.f32 v38, v23;
	v48 =	vpop (erf)  }
0x7f: {  	vm13 =	vge.f32 v45, $1.386294480e+00;
	v42 =	vmul.f32 v47, v61;
	v13 =	vmul.f32 v48, v46  }
0x80: {  	vm15 =	vge.f32 v45, $2.197224380e+00;
	v26 =	vmul.f32 v38, v26;
	v27 =	vmul.f32 v38, v27  }
0x81: {  	v43 =	vsel vm2, $0x3F800000, v0;
	v42 =	vadd.f32 $2.000000030e-01, v42;
	v46 =	vmul.f32 v13, v13  }
0x82: {  	v20 =	vmul.f32 v38, v20;
	v29 =	vadd.f32 v38, v29;
	v21 =	vmul.f32 v38, v21  }
0x83: {  	v5 =	vadd.f32 v43, v5;
	v50 =	vmul.f32 v42, v61;
	v51 =	vmul.f32 $1.111111120e-01, v46  }
0x84: {  	v24 =	vmul.f32 v38, v24;
	v34 =	vadd.f32 v49, v34;
	v23 =	vadd.f32 v23, v36  }
0x85: {  	v15 =	vmul.f32 v38, v15;
	v36 =	vadd.f32 $3.333333430e-01, v50;
	v52 =	vadd.f32 $1.428571490e-01, v51  }
0x86: {  	v17 =	vmul.f32 v38, v17;
	v26 =	vadd.f32 v26, v37;
	v27 =	vadd.f32 v27, v35  }
0x87: {  	v20 =	vadd.f32 v20, v30;
	v36 =	vmul.f32 v36, v61;
	v37 =	vmul.f32 v52, v46  }
0x88: {  	v59 =	vmax.f32 v45, $0.0e+00;
	v21 =	vadd.f32 v21, v31;
	v41 =	vadd.f32 v41, v41  }
0x89: {  	v44 =	vsel vm3, $0x3F800000, v0;
	v36 =	vadd.f32 $1.000000000e+00, v36;
	v37 =	vadd.f32 $2.000000030e-01, v37  }
0x8a: {  	v49 =	vsel vm6, $0x3F800000, v0;
	v24 =	vadd.f32 v24, v32;
	v15 =	vadd.f32 v15, v33  }
0x8b: {  	v17 =	vadd.f32 v17, v39;
	v53 =	vmul.f32 v36, v41;
	v37 =	vmul.f32 v37, v46  }
0x8c: {  	[tilespmem:$0x4980] =	vst v0;
	v35 =	vsel vm1, $0x3F800000, v0;
	v3 =	vadd.f32 v44, v3;
	v2 =	vadd.f32 v49, v2  }
0x8d: {  	[tilespmem:$0x4A00] =	vst v0;
	v47 =	vsel vm4, $0x3F800000, v0;
	v30 =	vadd.f32 v53, v54;
	v37 =	vadd.f32 $3.333333430e-01, v37  }
0x8e: {  	[tilespmem:$0x4680] =	vst v3;
	v3 =	vadd.f32 v16, v7;
	v6 =	vadd.f32 v47, v6;
	v42 =	vsel vm12, $0x3F800000, v0  }
0x8f: {  	[tilespmem:$0x4A80] =	vst v0;
	v50 =	vsel vm13, $0x3F800000, v0;
	v32 =	vmul.f32 v30, v16;
	v55 =	vmul.f32 v37, v46  }
0x90: {  	[tilespmem:$0x4B00] =	vst v0;
	v1 =	vadd.f32 v50, v1;
	v19 =	vmul.f32 v30, v19;
	v57 =	vmul.f32 v30, v22  }
0x91: {  	[tilespmem:$0x4B80] =	vst v0;
	v62 =	vmul.f32 v30, v8;
	v13 =	vadd.f32 v13, v13;
	v56 =	vadd.f32 $1.000000000e+00, v55  }
0x92: {  	[tilespmem:$0x4600] =	vst v5;
	v29 =	vadd.f32 v30, v29;
	v58 =	vmul.f32 v30, v12;
	v63 =	vmul.f32 v30, v25  }
0x93: {  	[tilespmem:$0x4800] =	vst v2;
	v19 =	vadd.f32 v19, v23;
	v23 =	vadd.f32 v62, v24;
	v13 =	vmul.f32 v56, v13  }
0x94: {  	[tilespmem:$0x4700] =	vst v6;
	v60 =	vmul.f32 v30, v9;
	v15 =	vadd.f32 v63, v15;
	v62 =	vadd.f32 v35, v11  }
0x95: {  	[tilespmem:$0x4880] =	vst v1;
	v48 =	vsel vm5, $0x3F800000, v0;
	v63 =	vadd.f32 v42, v28;
	v13 =	vadd.f32 v13, v59  }
0x96: {  	v22 =	vadd.f32 v57, v26;
	v57 =	vsel vm15, $0x3F800000, v0;
	v4 =	vadd.f32 v48, v4;
	[tilespmem:$0x4500] =	vst v62  }
0x97: {  	v61 =	vmul.f32 v30, v10;
	v3 =	vadd.f32 v57, v3;
	[tilespmem:$0x4580] =	vst v63;
	v46 =	vmul.f32 v13, v35  }
0x98: {  	v41 =	vmul.f32 v30, v18;
	[tilespmem:$0x4780] =	vst v4;
	v29 =	vadd.f32 v13, v29;
	v51 =	vmul.f32 v13, v42  }
0x99: {  	v39 =	vadd.f32 v58, v27;
	[tilespmem:$0x4900] =	vst v3;
	v52 =	vmul.f32 v13, v43;
	v19 =	vadd.f32 v46, v19  }
0x9a: {  	v20 =	vadd.f32 v60, v20;
	v53 =	vmul.f32 v13, v44;
	v22 =	vadd.f32 v51, v22;
	[tilespmem:$0x4000] =	vst v29  }
0x9b: {  	v21 =	vadd.f32 v61, v21;
	v54 =	vmul.f32 v13, v47;
	v26 =	vadd.f32 v52, v39;
	[tilespmem:$0x4080] =	vst v19  }
0x9c: {  	v17 =	vadd.f32 v41, v17;
	v56 =	vmul.f32 v13, v49;
	v20 =	vadd.f32 v53, v20;
	[tilespmem:$0x4100] =	vst v22  }
0x9d: {  	v59 =	vadd.f32 v32, v34;
	v58 =	vmul.f32 v13, v50;
	v21 =	vadd.f32 v54, v21;
	[tilespmem:$0x4180] =	vst v26  }
0x9e: {  	v55 =	vmul.f32 v13, v48;
	v13 =	vmul.f32 v13, v57;
	v15 =	vadd.f32 v56, v15;
	[tilespmem:$0x4200] =	vst v20  }
0x9f: {  	v60 =	vadd.f32 v58, v17;
	[tilespmem:$0x4280] =	vst v21  }
0xa0: {  	v61 =	vadd.f32 v13, v59;
	[tilespmem:$0x4380] =	vst v15  }
0xa1: {  	s10 =	sadd.s32 $0x1, s10;
	v19 =	vadd.f32 v55, v23;
	[tilespmem:$0x4400] =	vst v60  }
0xa2: {  	p0 =	sne.s32 s10, s6;
	[tilespmem:$0x4480] =	vst v61  }
.Ltmp1:
0xa3: {  	[tilespmem:$0x4300] =	vst v19;
	(pc) =	sbr.rel @p0 .LBB2_1-.Ltmp1, $4  }
0xa4: {  	[hbm4b:s5+s2] =	stream.linear.scatter [tilespmem:s9], [sflag:$0x1], $0xC00, $0x38;
	[tilespmem:$0x4C00] =	vst v63  }
0xa5: {  	_ =	swait.ge [sflag:s7], $0xC00  }
0xa6: {  	[sflag:s7] =	ssyncset.done $0x0  }
0xa7: {  	[sflag:s7] =	ssyncadd.s32 $0xFFFFF400  }
0xa8: {  	_ =	sfence.sel $0x180000  }
0xa9: {  	[bflag:$0x0] =	sbarrier.arrive $0xFFFF  }
0xaa: {  	p0 =	sne.s32 s0, $0x0;
	_ =	strace $0x90000047  }
0xab: {  	s0 =	sadd.s32 @!p0 $0x100000, s1;
	[bflag:$0x2] =	sbarrier.arrive $0xFFFF  }
0xac: {  	[sflag:s0] =	ssyncadd.tile.s32 @!p0 $0x1;
	_ =	shalt  }
.Lfunc_end2:
_tile_overlayer_lowered:
.L_overlay_start_2:
0xad: {  	(tag) =	ssettag $0x2  }
0xae: {  	s0 =	rddreg [dreg:$0x0];
	s2 =	stileid.u32  }
0xaf: {  	s1 =	rddreg [dreg:$0x1];
	p0 =	sne.s32 s2, $0x0  }
0xb0: {  	s3 =	rddreg [dreg:$0x2];
	[bflag:$0x3] =	sbarrier.arrive $0xFFFF;
	s2 =	simm.s32 @!p0 $0x1C01  }
0xb1: {  	[timem:s3], [sflag:s2] =	dma.local @!p0 [hbm:s0], s1  }
0xb2: {  	s0 =	simm.s32 @!p0 $0x1  }
0xb3: {  	_ =	swait.ge @!p0 [sflag:s0], s1  }
0xb4: {  	s1 =	ssub.s32 @!p0 $0x0, s1;
	[sflag:s0] =	ssyncset.done @!p0 $0x0  }
0xb5: {  	[sflag:s0] =	ssyncadd.s32 @!p0 s1  }
0xb6: {  	[bflag:$0x3] =	sbarrier.arrive $0xFFFF  }
0xb7: {  	_ =	shalt  }

</sc_bundles>
